<compile_context>
chip_gen: v7x
topology: tpu7x:2x2x1
jax: 0.10.2.dev20260603
libtpu: 0.0.44.dev20260713+nightly
codegen_flags: <defaults>
</compile_context>

<pallas_src>
import functools

import jax
import jax.numpy as jnp
from jax import lax
from jax.experimental import pallas as pl
from jax.experimental.pallas import tpu as pltpu
from jax.experimental.pallas import tpu_sc as plsc

NUM_EMBEDDINGS = 1000000
FEATURES = 64
BATCH = 16384
FIELDS = 26

NC = 2
NS = 16
NW = NC * NS

B_TOTAL = BATCH * FIELDS
BPW = B_TOTAL // NW
CHUNK = 128
NCHUNK = BPW // CHUNK
K = 4
NGROUP = NCHUNK // K
NBUF = 3 * K
BCOLS = BATCH // CHUNK

_mesh = plsc.VectorSubcoreMesh(core_axis_name="c", subcore_axis_name="s")


@functools.partial(
    pl.kernel,
    mesh=_mesh,
    out_type=jax.ShapeDtypeStruct((B_TOTAL,), jnp.int32),
    scratch_types=[
        pltpu.VMEM((BPW,), jnp.int32),
        pltpu.SemaphoreType.DMA,
    ],
    compiler_params=pltpu.CompilerParams(use_tc_tiling_on_sc=True),
)
def _detile_idx(idx_hbm, out_hbm, buf_v, sem):
    wid = lax.axis_index("s") * NC + lax.axis_index("c")
    blk0 = wid * NCHUNK

    def src(k):
        blk = blk0 + k
        return idx_hbm.at[blk // BCOLS, pl.ds(lax.rem(blk, BCOLS) * CHUNK, CHUNK)]

    def body(g, carry):
        for j in range(8):
            k = g * 8 + j
            pltpu.async_copy(src(k), buf_v.at[pl.ds(k * CHUNK, CHUNK)], sem)
        for j in range(8):
            k = g * 8 + j
            pltpu.make_async_copy(
                src(k), buf_v.at[pl.ds(k * CHUNK, CHUNK)], sem
            ).wait()
        return carry

    lax.fori_loop(0, NCHUNK // 8, body, 0)
    pltpu.sync_copy(buf_v, out_hbm.at[pl.ds(wid * BPW, BPW)])


@functools.partial(
    pl.kernel,
    mesh=_mesh,
    out_type=jax.ShapeDtypeStruct((B_TOTAL, FEATURES), jnp.float32),
    scratch_types=[
        pltpu.VMEM((BPW,), jnp.int32),
        pltpu.VMEM((NBUF, CHUNK, FEATURES), jnp.float32),
        pltpu.SemaphoreType.DMA,
        pltpu.SemaphoreType.DMA,
    ],
    compiler_params=pltpu.CompilerParams(use_tc_tiling_on_sc=False),
)
def _embed_gather(idx_hbm, table_hbm, out_hbm, idx_v, rows_v, gsem, ssem):
    wid = lax.axis_index("s") * NC + lax.axis_index("c")
    base = wid * BPW

    pltpu.sync_copy(idx_hbm.at[pl.ds(base, BPW)], idx_v)

    def idx_ref(c):
        return idx_v.at[pl.ds(c * CHUNK, CHUNK)]

    for j in range(K):
        pltpu.async_copy(table_hbm.at[idx_ref(j)], rows_v.at[j], gsem)

    def body(i, carry):
        @pl.when(i >= 2)
        def _():
            for j in range(K):
                pltpu.make_async_copy(
                    rows_v.at[j], out_hbm.at[pl.ds(base, CHUNK)], ssem
                ).wait()

        @pl.when(i + 1 < NGROUP)
        def _():
            boff = lax.rem(i + 1, 3) * K
            for j in range(K):
                pltpu.async_copy(
                    table_hbm.at[idx_ref((i + 1) * K + j)],
                    rows_v.at[boff + j],
                    gsem,
                )

        boff = lax.rem(i, 3) * K
        for j in range(K):
            c = i * K + j
            pltpu.make_async_copy(
                table_hbm.at[idx_ref(c)], rows_v.at[boff + j], gsem
            ).wait()
            pltpu.async_copy(
                rows_v.at[boff + j],
                out_hbm.at[pl.ds(base + c * CHUNK, CHUNK)],
                ssem,
            )
        return carry

    lax.fori_loop(0, NGROUP, body, 0)

    for j in range(2 * K):
        pltpu.make_async_copy(
            rows_v.at[0], out_hbm.at[pl.ds(base, CHUNK)], ssem
        ).wait()


def kernel(inputs, embedding):
    idx_flat = _detile_idx(inputs.astype(jnp.int32).T)
    table = jnp.asarray(embedding, jnp.float32)
    out = _embed_gather(idx_flat, table)
    return out.reshape(FIELDS, BATCH, FEATURES).transpose(1, 0, 2)

# --- scband reference (transcript-rebuilt; emitter-appended) ---
"""Pipeline reference for scband-parallel-embed-24575802868119 (READ-ONLY COPY).

The authoritative reference and input builder live on the scoring server;
editing this copy changes nothing except your own understanding.
"""

import jax, jax.numpy as jnp
import numpy as np

NUM_EMBEDDINGS = 1000000
FEATURES = 64
BATCH = 16384
FIELDS = 26

def setup_inputs(seed: int = 0) -> dict:
    key = jax.random.key(seed)
    k_idx, k_emb = jax.random.split(key)
    inputs = jax.random.randint(k_idx, (BATCH, FIELDS), 0, NUM_EMBEDDINGS, dtype=jnp.int64 if jax.config.jax_enable_x64 else jnp.int32)
    embedding = jax.random.normal(k_emb, (NUM_EMBEDDINGS, FEATURES), dtype=jnp.float32) * 0.02
    return {"inputs": inputs, "embedding": embedding}

def reference(inputs, embedding):
    # Faithful translation of ParallelEmbed.__call__
    embedding = jnp.asarray(embedding, jnp.float32)
    return embedding[inputs.astype('i4')]

if __name__ == "__main__":
    import jax
    _d = setup_inputs()
    print(jax.jit(kernel)(*tuple(_d.values())))

</pallas_src>

<mosaic_0001>
#map = affine_map<(d0, d1) -> (0, 0)>
#map1 = affine_map<(d0, d1) -> (0)>
module attributes {stable_mosaic.version = 14 : i64} {
  func.func @_detile_idx(%arg0: i32, %arg1: i32, %arg2: memref<26x16384xi32, #tpu.memory_space<hbm>>, %arg3: memref<425984xi32, #tpu.memory_space<hbm>>, %arg4: memref<13312xi32, #tpu.memory_space<vmem>>, %arg5: memref<!tpu.dma_semaphore, #tpu.memory_space<semaphore_mem>>) attributes {dimension_semantics = [#tpu.dimension_semantics<core_parallel>, #tpu.dimension_semantics<subcore_parallel>], iteration_bounds = array<i64: 2, 16>, scalar_prefetch = 0 : i64, scratch_operands = 2 : i64, tpu.core_type = #tpu.core_type<sc_vector_subcore>, window_params = [{transform_indices = #map}, {transform_indices = #map1}]} {
    %mul3A = arith.constant 2 : i32
    %mul3A_0 = arith.muli %arg1, %mul3A : i32
    %add3A = arith.addi %mul3A_0, %arg0 : i32
    %mul3A_1 = arith.constant 104 : i32
    %mul3A_2 = arith.muli %add3A, %mul3A_1 : i32
    %scan3A = arith.constant 0 : i32
    %scan3A_3 = arith.constant 0 : i32
    %scan3A_4 = arith.constant 13 : i32
    %scan3A_5 = arith.addi %scan3A_3, %scan3A_4 : i32
    %scan3A_6 = arith.constant 1 : i32
    scf.for %scan3A_10 = %scan3A_3 to %scan3A_5 step %scan3A_6  : i32 {
      %mul3A_11 = arith.constant 8 : i32
      %mul3A_12 = arith.muli %scan3A_10, %mul3A_11 : i32
      %add3A_13 = arith.constant 0 : i32
      %add3A_14 = arith.addi %mul3A_12, %add3A_13 : i32
      %add3A_15 = arith.addi %mul3A_2, %add3A_14 : i32
      %jit3A = arith.constant 128 : i32
      %div3A = arith.divsi %add3A_15, %jit3A : i32
      %sign3A = arith.constant 0 : i32
      %sign3A_16 = arith.cmpi sgt, %add3A_15, %sign3A : i32
      %sign3A_17 = arith.extui %sign3A_16 : i1 to i32
      %sign3A_18 = arith.constant 0 : i32
      %sign3A_19 = arith.cmpi slt, %add3A_15, %sign3A_18 : i32
      %sign3A_20 = arith.extui %sign3A_19 : i1 to i32
      %sign3A_21 = arith.subi %sign3A_17, %sign3A_20 : i32
      %sign3A_22 = arith.constant 0 : i32
      %sign3A_23 = arith.cmpi sgt, %jit3A, %sign3A_22 : i32
      %sign3A_24 = arith.extui %sign3A_23 : i1 to i32
      %sign3A_25 = arith.constant 0 : i32
      %sign3A_26 = arith.cmpi slt, %jit3A, %sign3A_25 : i32
      %sign3A_27 = arith.extui %sign3A_26 : i1 to i32
      %sign3A_28 = arith.subi %sign3A_24, %sign3A_27 : i32
      %ne3A = arith.cmpi ne, %sign3A_21, %sign3A_28 : i32
      %rem3A = arith.remsi %add3A_15, %jit3A : i32
      %ne3A_29 = arith.constant 0 : i32
      %ne3A_30 = arith.cmpi ne, %rem3A, %ne3A_29 : i32
      %and3A = arith.andi %ne3A, %ne3A_30 : i1
      %sub3A = arith.constant 1 : i32
      %sub3A_31 = arith.subi %div3A, %sub3A : i32
      %select_n3A = arith.select %and3A, %sub3A_31, %div3A : i32
      %rem3A_32 = arith.constant 128 : i32
      %rem3A_33 = arith.remsi %add3A_15, %rem3A_32 : i32
      %mul3A_34 = arith.constant 128 : i32
      %mul3A_35 = arith.muli %rem3A_33, %mul3A_34 : i32
      %mul3A_36 = arith.constant 128 : i32
      %mul3A_37 = arith.muli %add3A_14, %mul3A_36 : i32
      %dma_start3A = tpu.memref_slice %arg4[%mul3A_37] : memref<13312xi32, #tpu.memory_space<vmem>> -> memref<128xi32, #tpu.memory_space<vmem>>
      %dma_start3A_38 = tpu.memref_slice %arg2[%select_n3A, %mul3A_35] : memref<26x16384xi32, #tpu.memory_space<hbm>> -> memref<1x128xi32, #tpu.memory_space<hbm>>
      %dma_start3A_39 = tpu.memref_squeeze %dma_start3A_38 : memref<1x128xi32, #tpu.memory_space<hbm>> -> memref<128xi32, #tpu.memory_space<hbm>>
      %dma_start3A_40 = tpu.memref_slice %arg4[%mul3A_37] : memref<13312xi32, #tpu.memory_space<vmem>> -> memref<128xi32, #tpu.memory_space<vmem>>
      %dma_start3A_41 = tpu.memref_slice %arg2[%select_n3A, %mul3A_35] : memref<26x16384xi32, #tpu.memory_space<hbm>> -> memref<1x128xi32, #tpu.memory_space<hbm>>
      %dma_start3A_42 = tpu.memref_squeeze %dma_start3A_41 : memref<1x128xi32, #tpu.memory_space<hbm>> -> memref<128xi32, #tpu.memory_space<hbm>>
      tpu.enqueue_dma source(%dma_start3A_42 : memref<128xi32, #tpu.memory_space<hbm>>) target(%dma_start3A_40 : memref<128xi32, #tpu.memory_space<vmem>>) target_semaphore(%arg5 : memref<!tpu.dma_semaphore, #tpu.memory_space<semaphore_mem>>)
      %mul3A_43 = arith.constant 8 : i32
      %mul3A_44 = arith.muli %scan3A_10, %mul3A_43 : i32
      %add3A_45 = arith.constant 1 : i32
      %add3A_46 = arith.addi %mul3A_44, %add3A_45 : i32
      %add3A_47 = arith.addi %mul3A_2, %add3A_46 : i32
      %jit3A_48 = arith.constant 128 : i32
      %div3A_49 = arith.divsi %add3A_47, %jit3A_48 : i32
      %sign3A_50 = arith.constant 0 : i32
      %sign3A_51 = arith.cmpi sgt, %add3A_47, %sign3A_50 : i32
      %sign3A_52 = arith.extui %sign3A_51 : i1 to i32
      %sign3A_53 = arith.constant 0 : i32
      %sign3A_54 = arith.cmpi slt, %add3A_47, %sign3A_53 : i32
      %sign3A_55 = arith.extui %sign3A_54 : i1 to i32
      %sign3A_56 = arith.subi %sign3A_52, %sign3A_55 : i32
      %sign3A_57 = arith.constant 0 : i32
      %sign3A_58 = arith.cmpi sgt, %jit3A_48, %sign3A_57 : i32
      %sign3A_59 = arith.extui %sign3A_58 : i1 to i32
      %sign3A_60 = arith.constant 0 : i32
      %sign3A_61 = arith.cmpi slt, %jit3A_48, %sign3A_60 : i32
      %sign3A_62 = arith.extui %sign3A_61 : i1 to i32
      %sign3A_63 = arith.subi %sign3A_59, %sign3A_62 : i32
      %ne3A_64 = arith.cmpi ne, %sign3A_56, %sign3A_63 : i32
      %rem3A_65 = arith.remsi %add3A_47, %jit3A_48 : i32
      %ne3A_66 = arith.constant 0 : i32
      %ne3A_67 = arith.cmpi ne, %rem3A_65, %ne3A_66 : i32
      %and3A_68 = arith.andi %ne3A_64, %ne3A_67 : i1
      %sub3A_69 = arith.constant 1 : i32
      %sub3A_70 = arith.subi %div3A_49, %sub3A_69 : i32
      %select_n3A_71 = arith.select %and3A_68, %sub3A_70, %div3A_49 : i32
      %rem3A_72 = arith.constant 128 : i32
      %rem3A_73 = arith.remsi %add3A_47, %rem3A_72 : i32
      %mul3A_74 = arith.constant 128 : i32
      %mul3A_75 = arith.muli %rem3A_73, %mul3A_74 : i32
      %mul3A_76 = arith.constant 128 : i32
      %mul3A_77 = arith.muli %add3A_46, %mul3A_76 : i32
      %dma_start3A_78 = tpu.memref_slice %arg4[%mul3A_77] : memref<13312xi32, #tpu.memory_space<vmem>> -> memref<128xi32, #tpu.memory_space<vmem>>
      %dma_start3A_79 = tpu.memref_slice %arg2[%select_n3A_71, %mul3A_75] : memref<26x16384xi32, #tpu.memory_space<hbm>> -> memref<1x128xi32, #tpu.memory_space<hbm>>
      %dma_start3A_80 = tpu.memref_squeeze %dma_start3A_79 : memref<1x128xi32, #tpu.memory_space<hbm>> -> memref<128xi32, #tpu.memory_space<hbm>>
      %dma_start3A_81 = tpu.memref_slice %arg4[%mul3A_77] : memref<13312xi32, #tpu.memory_space<vmem>> -> memref<128xi32, #tpu.memory_space<vmem>>
      %dma_start3A_82 = tpu.memref_slice %arg2[%select_n3A_71, %mul3A_75] : memref<26x16384xi32, #tpu.memory_space<hbm>> -> memref<1x128xi32, #tpu.memory_space<hbm>>
      %dma_start3A_83 = tpu.memref_squeeze %dma_start3A_82 : memref<1x128xi32, #tpu.memory_space<hbm>> -> memref<128xi32, #tpu.memory_space<hbm>>
      tpu.enqueue_dma source(%dma_start3A_83 : memref<128xi32, #tpu.memory_space<hbm>>) target(%dma_start3A_81 : memref<128xi32, #tpu.memory_space<vmem>>) target_semaphore(%arg5 : memref<!tpu.dma_semaphore, #tpu.memory_space<semaphore_mem>>)
      %mul3A_84 = arith.constant 8 : i32
      %mul3A_85 = arith.muli %scan3A_10, %mul3A_84 : i32
      %add3A_86 = arith.constant 2 : i32
      %add3A_87 = arith.addi %mul3A_85, %add3A_86 : i32
      %add3A_88 = arith.addi %mul3A_2, %add3A_87 : i32
      %jit3A_89 = arith.constant 128 : i32
      %div3A_90 = arith.divsi %add3A_88, %jit3A_89 : i32
      %sign3A_91 = arith.constant 0 : i32
      %sign3A_92 = arith.cmpi sgt, %add3A_88, %sign3A_91 : i32
      %sign3A_93 = arith.extui %sign3A_92 : i1 to i32
      %sign3A_94 = arith.constant 0 : i32
      %sign3A_95 = arith.cmpi slt, %add3A_88, %sign3A_94 : i32
      %sign3A_96 = arith.extui %sign3A_95 : i1 to i32
      %sign3A_97 = arith.subi %sign3A_93, %sign3A_96 : i32
      %sign3A_98 = arith.constant 0 : i32
      %sign3A_99 = arith.cmpi sgt, %jit3A_89, %sign3A_98 : i32
      %sign3A_100 = arith.extui %sign3A_99 : i1 to i32
      %sign3A_101 = arith.constant 0 : i32
      %sign3A_102 = arith.cmpi slt, %jit3A_89, %sign3A_101 : i32
      %sign3A_103 = arith.extui %sign3A_102 : i1 to i32
      %sign3A_104 = arith.subi %sign3A_100, %sign3A_103 : i32
      %ne3A_105 = arith.cmpi ne, %sign3A_97, %sign3A_104 : i32
      %rem3A_106 = arith.remsi %add3A_88, %jit3A_89 : i32
      %ne3A_107 = arith.constant 0 : i32
      %ne3A_108 = arith.cmpi ne, %rem3A_106, %ne3A_107 : i32
      %and3A_109 = arith.andi %ne3A_105, %ne3A_108 : i1
      %sub3A_110 = arith.constant 1 : i32
      %sub3A_111 = arith.subi %div3A_90, %sub3A_110 : i32
      %select_n3A_112 = arith.select %and3A_109, %sub3A_111, %div3A_90 : i32
      %rem3A_113 = arith.constant 128 : i32
      %rem3A_114 = arith.remsi %add3A_88, %rem3A_113 : i32
      %mul3A_115 = arith.constant 128 : i32
      %mul3A_116 = arith.muli %rem3A_114, %mul3A_115 : i32
      %mul3A_117 = arith.constant 128 : i32
      %mul3A_118 = arith.muli %add3A_87, %mul3A_117 : i32
      %dma_start3A_119 = tpu.memref_slice %arg4[%mul3A_118] : memref<13312xi32, #tpu.memory_space<vmem>> -> memref<128xi32, #tpu.memory_space<vmem>>
      %dma_start3A_120 = tpu.memref_slice %arg2[%select_n3A_112, %mul3A_116] : memref<26x16384xi32, #tpu.memory_space<hbm>> -> memref<1x128xi32, #tpu.memory_space<hbm>>
      %dma_start3A_121 = tpu.memref_squeeze %dma_start3A_120 : memref<1x128xi32, #tpu.memory_space<hbm>> -> memref<128xi32, #tpu.memory_space<hbm>>
      %dma_start3A_122 = tpu.memref_slice %arg4[%mul3A_118] : memref<13312xi32, #tpu.memory_space<vmem>> -> memref<128xi32, #tpu.memory_space<vmem>>
      %dma_start3A_123 = tpu.memref_slice %arg2[%select_n3A_112, %mul3A_116] : memref<26x16384xi32, #tpu.memory_space<hbm>> -> memref<1x128xi32, #tpu.memory_space<hbm>>
      %dma_start3A_124 = tpu.memref_squeeze %dma_start3A_123 : memref<1x128xi32, #tpu.memory_space<hbm>> -> memref<128xi32, #tpu.memory_space<hbm>>
      tpu.enqueue_dma source(%dma_start3A_124 : memref<128xi32, #tpu.memory_space<hbm>>) target(%dma_start3A_122 : memref<128xi32, #tpu.memory_space<vmem>>) target_semaphore(%arg5 : memref<!tpu.dma_semaphore, #tpu.memory_space<semaphore_mem>>)
      %mul3A_125 = arith.constant 8 : i32
      %mul3A_126 = arith.muli %scan3A_10, %mul3A_125 : i32
      %add3A_127 = arith.constant 3 : i32
      %add3A_128 = arith.addi %mul3A_126, %add3A_127 : i32
      %add3A_129 = arith.addi %mul3A_2, %add3A_128 : i32
      %jit3A_130 = arith.constant 128 : i32
      %div3A_131 = arith.divsi %add3A_129, %jit3A_130 : i32
      %sign3A_132 = arith.constant 0 : i32
      %sign3A_133 = arith.cmpi sgt, %add3A_129, %sign3A_132 : i32
      %sign3A_134 = arith.extui %sign3A_133 : i1 to i32
      %sign3A_135 = arith.constant 0 : i32
      %sign3A_136 = arith.cmpi slt, %add3A_129, %sign3A_135 : i32
      %sign3A_137 = arith.extui %sign3A_136 : i1 to i32
      %sign3A_138 = arith.subi %sign3A_134, %sign3A_137 : i32
      %sign3A_139 = arith.constant 0 : i32
      %sign3A_140 = arith.cmpi sgt, %jit3A_130, %sign3A_139 : i32
      %sign3A_141 = arith.extui %sign3A_140 : i1 to i32
      %sign3A_142 = arith.constant 0 : i32
      %sign3A_143 = arith.cmpi slt, %jit3A_130, %sign3A_142 : i32
      %sign3A_144 = arith.extui %sign3A_143 : i1 to i32
      %sign3A_145 = arith.subi %sign3A_141, %sign3A_144 : i32
      %ne3A_146 = arith.cmpi ne, %sign3A_138, %sign3A_145 : i32
      %rem3A_147 = arith.remsi %add3A_129, %jit3A_130 : i32
      %ne3A_148 = arith.constant 0 : i32
      %ne3A_149 = arith.cmpi ne, %rem3A_147, %ne3A_148 : i32
      %and3A_150 = arith.andi %ne3A_146, %ne3A_149 : i1
      %sub3A_151 = arith.constant 1 : i32
      %sub3A_152 = arith.subi %div3A_131, %sub3A_151 : i32
      %select_n3A_153 = arith.select %and3A_150, %sub3A_152, %div3A_131 : i32
      %rem3A_154 = arith.constant 128 : i32
      %rem3A_155 = arith.remsi %add3A_129, %rem3A_154 : i32
      %mul3A_156 = arith.constant 128 : i32
      %mul3A_157 = arith.muli %rem3A_155, %mul3A_156 : i32
      %mul3A_158 = arith.constant 128 : i32
      %mul3A_159 = arith.muli %add3A_128, %mul3A_158 : i32
      %dma_start3A_160 = tpu.memref_slice %arg4[%mul3A_159] : memref<13312xi32, #tpu.memory_space<vmem>> -> memref<128xi32, #tpu.memory_space<vmem>>
      %dma_start3A_161 = tpu.memref_slice %arg2[%select_n3A_153, %mul3A_157] : memref<26x16384xi32, #tpu.memory_space<hbm>> -> memref<1x128xi32, #tpu.memory_space<hbm>>
      %dma_start3A_162 = tpu.memref_squeeze %dma_start3A_161 : memref<1x128xi32, #tpu.memory_space<hbm>> -> memref<128xi32, #tpu.memory_space<hbm>>
      %dma_start3A_163 = tpu.memref_slice %arg4[%mul3A_159] : memref<13312xi32, #tpu.memory_space<vmem>> -> memref<128xi32, #tpu.memory_space<vmem>>
      %dma_start3A_164 = tpu.memref_slice %arg2[%select_n3A_153, %mul3A_157] : memref<26x16384xi32, #tpu.memory_space<hbm>> -> memref<1x128xi32, #tpu.memory_space<hbm>>
      %dma_start3A_165 = tpu.memref_squeeze %dma_start3A_164 : memref<1x128xi32, #tpu.memory_space<hbm>> -> memref<128xi32, #tpu.memory_space<hbm>>
      tpu.enqueue_dma source(%dma_start3A_165 : memref<128xi32, #tpu.memory_space<hbm>>) target(%dma_start3A_163 : memref<128xi32, #tpu.memory_space<vmem>>) target_semaphore(%arg5 : memref<!tpu.dma_semaphore, #tpu.memory_space<semaphore_mem>>)
      %mul3A_166 = arith.constant 8 : i32
      %mul3A_167 = arith.muli %scan3A_10, %mul3A_166 : i32
      %add3A_168 = arith.constant 4 : i32
      %add3A_169 = arith.addi %mul3A_167, %add3A_168 : i32
      %add3A_170 = arith.addi %mul3A_2, %add3A_169 : i32
      %jit3A_171 = arith.constant 128 : i32
      %div3A_172 = arith.divsi %add3A_170, %jit3A_171 : i32
      %sign3A_173 = arith.constant 0 : i32
      %sign3A_174 = arith.cmpi sgt, %add3A_170, %sign3A_173 : i32
      %sign3A_175 = arith.extui %sign3A_174 : i1 to i32
      %sign3A_176 = arith.constant 0 : i32
      %sign3A_177 = arith.cmpi slt, %add3A_170, %sign3A_176 : i32
      %sign3A_178 = arith.extui %sign3A_177 : i1 to i32
      %sign3A_179 = arith.subi %sign3A_175, %sign3A_178 : i32
      %sign3A_180 = arith.constant 0 : i32
      %sign3A_181 = arith.cmpi sgt, %jit3A_171, %sign3A_180 : i32
      %sign3A_182 = arith.extui %sign3A_181 : i1 to i32
      %sign3A_183 = arith.constant 0 : i32
      %sign3A_184 = arith.cmpi slt, %jit3A_171, %sign3A_183 : i32
      %sign3A_185 = arith.extui %sign3A_184 : i1 to i32
      %sign3A_186 = arith.subi %sign3A_182, %sign3A_185 : i32
      %ne3A_187 = arith.cmpi ne, %sign3A_179, %sign3A_186 : i32
      %rem3A_188 = arith.remsi %add3A_170, %jit3A_171 : i32
      %ne3A_189 = arith.constant 0 : i32
      %ne3A_190 = arith.cmpi ne, %rem3A_188, %ne3A_189 : i32
      %and3A_191 = arith.andi %ne3A_187, %ne3A_190 : i1
      %sub3A_192 = arith.constant 1 : i32
      %sub3A_193 = arith.subi %div3A_172, %sub3A_192 : i32
      %select_n3A_194 = arith.select %and3A_191, %sub3A_193, %div3A_172 : i32
      %rem3A_195 = arith.constant 128 : i32
      %rem3A_196 = arith.remsi %add3A_170, %rem3A_195 : i32
      %mul3A_197 = arith.constant 128 : i32
      %mul3A_198 = arith.muli %rem3A_196, %mul3A_197 : i32
      %mul3A_199 = arith.constant 128 : i32
      %mul3A_200 = arith.muli %add3A_169, %mul3A_199 : i32
      %dma_start3A_201 = tpu.memref_slice %arg4[%mul3A_200] : memref<13312xi32, #tpu.memory_space<vmem>> -> memref<128xi32, #tpu.memory_space<vmem>>
      %dma_start3A_202 = tpu.memref_slice %arg2[%select_n3A_194, %mul3A_198] : memref<26x16384xi32, #tpu.memory_space<hbm>> -> memref<1x128xi32, #tpu.memory_space<hbm>>
      %dma_start3A_203 = tpu.memref_squeeze %dma_start3A_202 : memref<1x128xi32, #tpu.memory_space<hbm>> -> memref<128xi32, #tpu.memory_space<hbm>>
      %dma_start3A_204 = tpu.memref_slice %arg4[%mul3A_200] : memref<13312xi32, #tpu.memory_space<vmem>> -> memref<128xi32, #tpu.memory_space<vmem>>
      %dma_start3A_205 = tpu.memref_slice %arg2[%select_n3A_194, %mul3A_198] : memref<26x16384xi32, #tpu.memory_space<hbm>> -> memref<1x128xi32, #tpu.memory_space<hbm>>
      %dma_start3A_206 = tpu.memref_squeeze %dma_start3A_205 : memref<1x128xi32, #tpu.memory_space<hbm>> -> memref<128xi32, #tpu.memory_space<hbm>>
      tpu.enqueue_dma source(%dma_start3A_206 : memref<128xi32, #tpu.memory_space<hbm>>) target(%dma_start3A_204 : memref<128xi32, #tpu.memory_space<vmem>>) target_semaphore(%arg5 : memref<!tpu.dma_semaphore, #tpu.memory_space<semaphore_mem>>)
      %mul3A_207 = arith.constant 8 : i32
      %mul3A_208 = arith.muli %scan3A_10, %mul3A_207 : i32
      %add3A_209 = arith.constant 5 : i32
      %add3A_210 = arith.addi %mul3A_208, %add3A_209 : i32
      %add3A_211 = arith.addi %mul3A_2, %add3A_210 : i32
      %jit3A_212 = arith.constant 128 : i32
      %div3A_213 = arith.divsi %add3A_211, %jit3A_212 : i32
      %sign3A_214 = arith.constant 0 : i32
      %sign3A_215 = arith.cmpi sgt, %add3A_211, %sign3A_214 : i32
      %sign3A_216 = arith.extui %sign3A_215 : i1 to i32
      %sign3A_217 = arith.constant 0 : i32
      %sign3A_218 = arith.cmpi slt, %add3A_211, %sign3A_217 : i32
      %sign3A_219 = arith.extui %sign3A_218 : i1 to i32
      %sign3A_220 = arith.subi %sign3A_216, %sign3A_219 : i32
      %sign3A_221 = arith.constant 0 : i32
      %sign3A_222 = arith.cmpi sgt, %jit3A_212, %sign3A_221 : i32
      %sign3A_223 = arith.extui %sign3A_222 : i1 to i32
      %sign3A_224 = arith.constant 0 : i32
      %sign3A_225 = arith.cmpi slt, %jit3A_212, %sign3A_224 : i32
      %sign3A_226 = arith.extui %sign3A_225 : i1 to i32
      %sign3A_227 = arith.subi %sign3A_223, %sign3A_226 : i32
      %ne3A_228 = arith.cmpi ne, %sign3A_220, %sign3A_227 : i32
      %rem3A_229 = arith.remsi %add3A_211, %jit3A_212 : i32
      %ne3A_230 = arith.constant 0 : i32
      %ne3A_231 = arith.cmpi ne, %rem3A_229, %ne3A_230 : i32
      %and3A_232 = arith.andi %ne3A_228, %ne3A_231 : i1
      %sub3A_233 = arith.constant 1 : i32
      %sub3A_234 = arith.subi %div3A_213, %sub3A_233 : i32
      %select_n3A_235 = arith.select %and3A_232, %sub3A_234, %div3A_213 : i32
      %rem3A_236 = arith.constant 128 : i32
      %rem3A_237 = arith.remsi %add3A_211, %rem3A_236 : i32
      %mul3A_238 = arith.constant 128 : i32
      %mul3A_239 = arith.muli %rem3A_237, %mul3A_238 : i32
      %mul3A_240 = arith.constant 128 : i32
      %mul3A_241 = arith.muli %add3A_210, %mul3A_240 : i32
      %dma_start3A_242 = tpu.memref_slice %arg4[%mul3A_241] : memref<13312xi32, #tpu.memory_space<vmem>> -> memref<128xi32, #tpu.memory_space<vmem>>
      %dma_start3A_243 = tpu.memref_slice %arg2[%select_n3A_235, %mul3A_239] : memref<26x16384xi32, #tpu.memory_space<hbm>> -> memref<1x128xi32, #tpu.memory_space<hbm>>
      %dma_start3A_244 = tpu.memref_squeeze %dma_start3A_243 : memref<1x128xi32, #tpu.memory_space<hbm>> -> memref<128xi32, #tpu.memory_space<hbm>>
      %dma_start3A_245 = tpu.memref_slice %arg4[%mul3A_241] : memref<13312xi32, #tpu.memory_space<vmem>> -> memref<128xi32, #tpu.memory_space<vmem>>
      %dma_start3A_246 = tpu.memref_slice %arg2[%select_n3A_235, %mul3A_239] : memref<26x16384xi32, #tpu.memory_space<hbm>> -> memref<1x128xi32, #tpu.memory_space<hbm>>
      %dma_start3A_247 = tpu.memref_squeeze %dma_start3A_246 : memref<1x128xi32, #tpu.memory_space<hbm>> -> memref<128xi32, #tpu.memory_space<hbm>>
      tpu.enqueue_dma source(%dma_start3A_247 : memref<128xi32, #tpu.memory_space<hbm>>) target(%dma_start3A_245 : memref<128xi32, #tpu.memory_space<vmem>>) target_semaphore(%arg5 : memref<!tpu.dma_semaphore, #tpu.memory_space<semaphore_mem>>)
      %mul3A_248 = arith.constant 8 : i32
      %mul3A_249 = arith.muli %scan3A_10, %mul3A_248 : i32
      %add3A_250 = arith.constant 6 : i32
      %add3A_251 = arith.addi %mul3A_249, %add3A_250 : i32
      %add3A_252 = arith.addi %mul3A_2, %add3A_251 : i32
      %jit3A_253 = arith.constant 128 : i32
      %div3A_254 = arith.divsi %add3A_252, %jit3A_253 : i32
      %sign3A_255 = arith.constant 0 : i32
      %sign3A_256 = arith.cmpi sgt, %add3A_252, %sign3A_255 : i32
      %sign3A_257 = arith.extui %sign3A_256 : i1 to i32
      %sign3A_258 = arith.constant 0 : i32
      %sign3A_259 = arith.cmpi slt, %add3A_252, %sign3A_258 : i32
      %sign3A_260 = arith.extui %sign3A_259 : i1 to i32
      %sign3A_261 = arith.subi %sign3A_257, %sign3A_260 : i32
      %sign3A_262 = arith.constant 0 : i32
      %sign3A_263 = arith.cmpi sgt, %jit3A_253, %sign3A_262 : i32
      %sign3A_264 = arith.extui %sign3A_263 : i1 to i32
      %sign3A_265 = arith.constant 0 : i32
      %sign3A_266 = arith.cmpi slt, %jit3A_253, %sign3A_265 : i32
      %sign3A_267 = arith.extui %sign3A_266 : i1 to i32
      %sign3A_268 = arith.subi %sign3A_264, %sign3A_267 : i32
      %ne3A_269 = arith.cmpi ne, %sign3A_261, %sign3A_268 : i32
      %rem3A_270 = arith.remsi %add3A_252, %jit3A_253 : i32
      %ne3A_271 = arith.constant 0 : i32
      %ne3A_272 = arith.cmpi ne, %rem3A_270, %ne3A_271 : i32
      %and3A_273 = arith.andi %ne3A_269, %ne3A_272 : i1
      %sub3A_274 = arith.constant 1 : i32
      %sub3A_275 = arith.subi %div3A_254, %sub3A_274 : i32
      %select_n3A_276 = arith.select %and3A_273, %sub3A_275, %div3A_254 : i32
      %rem3A_277 = arith.constant 128 : i32
      %rem3A_278 = arith.remsi %add3A_252, %rem3A_277 : i32
      %mul3A_279 = arith.constant 128 : i32
      %mul3A_280 = arith.muli %rem3A_278, %mul3A_279 : i32
      %mul3A_281 = arith.constant 128 : i32
      %mul3A_282 = arith.muli %add3A_251, %mul3A_281 : i32
      %dma_start3A_283 = tpu.memref_slice %arg4[%mul3A_282] : memref<13312xi32, #tpu.memory_space<vmem>> -> memref<128xi32, #tpu.memory_space<vmem>>
      %dma_start3A_284 = tpu.memref_slice %arg2[%select_n3A_276, %mul3A_280] : memref<26x16384xi32, #tpu.memory_space<hbm>> -> memref<1x128xi32, #tpu.memory_space<hbm>>
      %dma_start3A_285 = tpu.memref_squeeze %dma_start3A_284 : memref<1x128xi32, #tpu.memory_space<hbm>> -> memref<128xi32, #tpu.memory_space<hbm>>
      %dma_start3A_286 = tpu.memref_slice %arg4[%mul3A_282] : memref<13312xi32, #tpu.memory_space<vmem>> -> memref<128xi32, #tpu.memory_space<vmem>>
      %dma_start3A_287 = tpu.memref_slice %arg2[%select_n3A_276, %mul3A_280] : memref<26x16384xi32, #tpu.memory_space<hbm>> -> memref<1x128xi32, #tpu.memory_space<hbm>>
      %dma_start3A_288 = tpu.memref_squeeze %dma_start3A_287 : memref<1x128xi32, #tpu.memory_space<hbm>> -> memref<128xi32, #tpu.memory_space<hbm>>
      tpu.enqueue_dma source(%dma_start3A_288 : memref<128xi32, #tpu.memory_space<hbm>>) target(%dma_start3A_286 : memref<128xi32, #tpu.memory_space<vmem>>) target_semaphore(%arg5 : memref<!tpu.dma_semaphore, #tpu.memory_space<semaphore_mem>>)
      %mul3A_289 = arith.constant 8 : i32
      %mul3A_290 = arith.muli %scan3A_10, %mul3A_289 : i32
      %add3A_291 = arith.constant 7 : i32
      %add3A_292 = arith.addi %mul3A_290, %add3A_291 : i32
      %add3A_293 = arith.addi %mul3A_2, %add3A_292 : i32
      %jit3A_294 = arith.constant 128 : i32
      %div3A_295 = arith.divsi %add3A_293, %jit3A_294 : i32
      %sign3A_296 = arith.constant 0 : i32
      %sign3A_297 = arith.cmpi sgt, %add3A_293, %sign3A_296 : i32
      %sign3A_298 = arith.extui %sign3A_297 : i1 to i32
      %sign3A_299 = arith.constant 0 : i32
      %sign3A_300 = arith.cmpi slt, %add3A_293, %sign3A_299 : i32
      %sign3A_301 = arith.extui %sign3A_300 : i1 to i32
      %sign3A_302 = arith.subi %sign3A_298, %sign3A_301 : i32
      %sign3A_303 = arith.constant 0 : i32
      %sign3A_304 = arith.cmpi sgt, %jit3A_294, %sign3A_303 : i32
      %sign3A_305 = arith.extui %sign3A_304 : i1 to i32
      %sign3A_306 = arith.constant 0 : i32
      %sign3A_307 = arith.cmpi slt, %jit3A_294, %sign3A_306 : i32
      %sign3A_308 = arith.extui %sign3A_307 : i1 to i32
      %sign3A_309 = arith.subi %sign3A_305, %sign3A_308 : i32
      %ne3A_310 = arith.cmpi ne, %sign3A_302, %sign3A_309 : i32
      %rem3A_311 = arith.remsi %add3A_293, %jit3A_294 : i32
      %ne3A_312 = arith.constant 0 : i32
      %ne3A_313 = arith.cmpi ne, %rem3A_311, %ne3A_312 : i32
      %and3A_314 = arith.andi %ne3A_310, %ne3A_313 : i1
      %sub3A_315 = arith.constant 1 : i32
      %sub3A_316 = arith.subi %div3A_295, %sub3A_315 : i32
      %select_n3A_317 = arith.select %and3A_314, %sub3A_316, %div3A_295 : i32
      %rem3A_318 = arith.constant 128 : i32
      %rem3A_319 = arith.remsi %add3A_293, %rem3A_318 : i32
      %mul3A_320 = arith.constant 128 : i32
      %mul3A_321 = arith.muli %rem3A_319, %mul3A_320 : i32
      %mul3A_322 = arith.constant 128 : i32
      %mul3A_323 = arith.muli %add3A_292, %mul3A_322 : i32
      %dma_start3A_324 = tpu.memref_slice %arg4[%mul3A_323] : memref<13312xi32, #tpu.memory_space<vmem>> -> memref<128xi32, #tpu.memory_space<vmem>>
      %dma_start3A_325 = tpu.memref_slice %arg2[%select_n3A_317, %mul3A_321] : memref<26x16384xi32, #tpu.memory_space<hbm>> -> memref<1x128xi32, #tpu.memory_space<hbm>>
      %dma_start3A_326 = tpu.memref_squeeze %dma_start3A_325 : memref<1x128xi32, #tpu.memory_space<hbm>> -> memref<128xi32, #tpu.memory_space<hbm>>
      %dma_start3A_327 = tpu.memref_slice %arg4[%mul3A_323] : memref<13312xi32, #tpu.memory_space<vmem>> -> memref<128xi32, #tpu.memory_space<vmem>>
      %dma_start3A_328 = tpu.memref_slice %arg2[%select_n3A_317, %mul3A_321] : memref<26x16384xi32, #tpu.memory_space<hbm>> -> memref<1x128xi32, #tpu.memory_space<hbm>>
      %dma_start3A_329 = tpu.memref_squeeze %dma_start3A_328 : memref<1x128xi32, #tpu.memory_space<hbm>> -> memref<128xi32, #tpu.memory_space<hbm>>
      tpu.enqueue_dma source(%dma_start3A_329 : memref<128xi32, #tpu.memory_space<hbm>>) target(%dma_start3A_327 : memref<128xi32, #tpu.memory_space<vmem>>) target_semaphore(%arg5 : memref<!tpu.dma_semaphore, #tpu.memory_space<semaphore_mem>>)
      %mul3A_330 = arith.constant 8 : i32
      %mul3A_331 = arith.muli %scan3A_10, %mul3A_330 : i32
      %add3A_332 = arith.constant 0 : i32
      %add3A_333 = arith.addi %mul3A_331, %add3A_332 : i32
      %add3A_334 = arith.addi %mul3A_2, %add3A_333 : i32
      %jit3A_335 = arith.constant 128 : i32
      %div3A_336 = arith.divsi %add3A_334, %jit3A_335 : i32
      %sign3A_337 = arith.constant 0 : i32
      %sign3A_338 = arith.cmpi sgt, %add3A_334, %sign3A_337 : i32
      %sign3A_339 = arith.extui %sign3A_338 : i1 to i32
      %sign3A_340 = arith.constant 0 : i32
      %sign3A_341 = arith.cmpi slt, %add3A_334, %sign3A_340 : i32
      %sign3A_342 = arith.extui %sign3A_341 : i1 to i32
      %sign3A_343 = arith.subi %sign3A_339, %sign3A_342 : i32
      %sign3A_344 = arith.constant 0 : i32
      %sign3A_345 = arith.cmpi sgt, %jit3A_335, %sign3A_344 : i32
      %sign3A_346 = arith.extui %sign3A_345 : i1 to i32
      %sign3A_347 = arith.constant 0 : i32
      %sign3A_348 = arith.cmpi slt, %jit3A_335, %sign3A_347 : i32
      %sign3A_349 = arith.extui %sign3A_348 : i1 to i32
      %sign3A_350 = arith.subi %sign3A_346, %sign3A_349 : i32
      %ne3A_351 = arith.cmpi ne, %sign3A_343, %sign3A_350 : i32
      %rem3A_352 = arith.remsi %add3A_334, %jit3A_335 : i32
      %ne3A_353 = arith.constant 0 : i32
      %ne3A_354 = arith.cmpi ne, %rem3A_352, %ne3A_353 : i32
      %and3A_355 = arith.andi %ne3A_351, %ne3A_354 : i1
      %sub3A_356 = arith.constant 1 : i32
      %sub3A_357 = arith.subi %div3A_336, %sub3A_356 : i32
      %select_n3A_358 = arith.select %and3A_355, %sub3A_357, %div3A_336 : i32
      %rem3A_359 = arith.constant 128 : i32
      %rem3A_360 = arith.remsi %add3A_334, %rem3A_359 : i32
      %mul3A_361 = arith.constant 128 : i32
      %mul3A_362 = arith.muli %rem3A_360, %mul3A_361 : i32
      %mul3A_363 = arith.constant 128 : i32
      %mul3A_364 = arith.muli %add3A_333, %mul3A_363 : i32
      %dma_wait3A = tpu.memref_slice %arg4[%mul3A_364] : memref<13312xi32, #tpu.memory_space<vmem>> -> memref<128xi32, #tpu.memory_space<vmem>>
      %dma_wait3A_365 = tpu.memref_slice %arg2[%select_n3A_358, %mul3A_362] : memref<26x16384xi32, #tpu.memory_space<hbm>> -> memref<1x128xi32, #tpu.memory_space<hbm>>
      %dma_wait3A_366 = tpu.memref_squeeze %dma_wait3A_365 : memref<1x128xi32, #tpu.memory_space<hbm>> -> memref<128xi32, #tpu.memory_space<hbm>>
      %dma_wait3A_367 = tpu.memref_slice %arg4[%mul3A_364] : memref<13312xi32, #tpu.memory_space<vmem>> -> memref<128xi32, #tpu.memory_space<vmem>>
      %dma_wait3A_368 = tpu.memref_slice %arg2[%select_n3A_358, %mul3A_362] : memref<26x16384xi32, #tpu.memory_space<hbm>> -> memref<1x128xi32, #tpu.memory_space<hbm>>
      %dma_wait3A_369 = tpu.memref_squeeze %dma_wait3A_368 : memref<1x128xi32, #tpu.memory_space<hbm>> -> memref<128xi32, #tpu.memory_space<hbm>>
      tpu.wait_dma2 semaphore(%arg5 : memref<!tpu.dma_semaphore, #tpu.memory_space<semaphore_mem>>) src(%dma_wait3A_369 : memref<128xi32, #tpu.memory_space<hbm>>) dst(%dma_wait3A_367 : memref<128xi32, #tpu.memory_space<vmem>>)
      %mul3A_370 = arith.constant 8 : i32
      %mul3A_371 = arith.muli %scan3A_10, %mul3A_370 : i32
      %add3A_372 = arith.constant 1 : i32
      %add3A_373 = arith.addi %mul3A_371, %add3A_372 : i32
      %add3A_374 = arith.addi %mul3A_2, %add3A_373 : i32
      %jit3A_375 = arith.constant 128 : i32
      %div3A_376 = arith.divsi %add3A_374, %jit3A_375 : i32
      %sign3A_377 = arith.constant 0 : i32
      %sign3A_378 = arith.cmpi sgt, %add3A_374, %sign3A_377 : i32
      %sign3A_379 = arith.extui %sign3A_378 : i1 to i32
      %sign3A_380 = arith.constant 0 : i32
      %sign3A_381 = arith.cmpi slt, %add3A_374, %sign3A_380 : i32
      %sign3A_382 = arith.extui %sign3A_381 : i1 to i32
      %sign3A_383 = arith.subi %sign3A_379, %sign3A_382 : i32
      %sign3A_384 = arith.constant 0 : i32
      %sign3A_385 = arith.cmpi sgt, %jit3A_375, %sign3A_384 : i32
      %sign3A_386 = arith.extui %sign3A_385 : i1 to i32
      %sign3A_387 = arith.constant 0 : i32
      %sign3A_388 = arith.cmpi slt, %jit3A_375, %sign3A_387 : i32
      %sign3A_389 = arith.extui %sign3A_388 : i1 to i32
      %sign3A_390 = arith.subi %sign3A_386, %sign3A_389 : i32
      %ne3A_391 = arith.cmpi ne, %sign3A_383, %sign3A_390 : i32
      %rem3A_392 = arith.remsi %add3A_374, %jit3A_375 : i32
      %ne3A_393 = arith.constant 0 : i32
      %ne3A_394 = arith.cmpi ne, %rem3A_392, %ne3A_393 : i32
      %and3A_395 = arith.andi %ne3A_391, %ne3A_394 : i1
      %sub3A_396 = arith.constant 1 : i32
      %sub3A_397 = arith.subi %div3A_376, %sub3A_396 : i32
      %select_n3A_398 = arith.select %and3A_395, %sub3A_397, %div3A_376 : i32
      %rem3A_399 = arith.constant 128 : i32
      %rem3A_400 = arith.remsi %add3A_374, %rem3A_399 : i32
      %mul3A_401 = arith.constant 128 : i32
      %mul3A_402 = arith.muli %rem3A_400, %mul3A_401 : i32
      %mul3A_403 = arith.constant 128 : i32
      %mul3A_404 = arith.muli %add3A_373, %mul3A_403 : i32
      %dma_wait3A_405 = tpu.memref_slice %arg4[%mul3A_404] : memref<13312xi32, #tpu.memory_space<vmem>> -> memref<128xi32, #tpu.memory_space<vmem>>
      %dma_wait3A_406 = tpu.memref_slice %arg2[%select_n3A_398, %mul3A_402] : memref<26x16384xi32, #tpu.memory_space<hbm>> -> memref<1x128xi32, #tpu.memory_space<hbm>>
      %dma_wait3A_407 = tpu.memref_squeeze %dma_wait3A_406 : memref<1x128xi32, #tpu.memory_space<hbm>> -> memref<128xi32, #tpu.memory_space<hbm>>
      %dma_wait3A_408 = tpu.memref_slice %arg4[%mul3A_404] : memref<13312xi32, #tpu.memory_space<vmem>> -> memref<128xi32, #tpu.memory_space<vmem>>
      %dma_wait3A_409 = tpu.memref_slice %arg2[%select_n3A_398, %mul3A_402] : memref<26x16384xi32, #tpu.memory_space<hbm>> -> memref<1x128xi32, #tpu.memory_space<hbm>>
      %dma_wait3A_410 = tpu.memref_squeeze %dma_wait3A_409 : memref<1x128xi32, #tpu.memory_space<hbm>> -> memref<128xi32, #tpu.memory_space<hbm>>
      tpu.wait_dma2 semaphore(%arg5 : memref<!tpu.dma_semaphore, #tpu.memory_space<semaphore_mem>>) src(%dma_wait3A_410 : memref<128xi32, #tpu.memory_space<hbm>>) dst(%dma_wait3A_408 : memref<128xi32, #tpu.memory_space<vmem>>)
      %mul3A_411 = arith.constant 8 : i32
      %mul3A_412 = arith.muli %scan3A_10, %mul3A_411 : i32
      %add3A_413 = arith.constant 2 : i32
      %add3A_414 = arith.addi %mul3A_412, %add3A_413 : i32
      %add3A_415 = arith.addi %mul3A_2, %add3A_414 : i32
      %jit3A_416 = arith.constant 128 : i32
      %div3A_417 = arith.divsi %add3A_415, %jit3A_416 : i32
      %sign3A_418 = arith.constant 0 : i32
      %sign3A_419 = arith.cmpi sgt, %add3A_415, %sign3A_418 : i32
      %sign3A_420 = arith.extui %sign3A_419 : i1 to i32
      %sign3A_421 = arith.constant 0 : i32
      %sign3A_422 = arith.cmpi slt, %add3A_415, %sign3A_421 : i32
      %sign3A_423 = arith.extui %sign3A_422 : i1 to i32
      %sign3A_424 = arith.subi %sign3A_420, %sign3A_423 : i32
      %sign3A_425 = arith.constant 0 : i32
      %sign3A_426 = arith.cmpi sgt, %jit3A_416, %sign3A_425 : i32
      %sign3A_427 = arith.extui %sign3A_426 : i1 to i32
      %sign3A_428 = arith.constant 0 : i32
      %sign3A_429 = arith.cmpi slt, %jit3A_416, %sign3A_428 : i32
      %sign3A_430 = arith.extui %sign3A_429 : i1 to i32
      %sign3A_431 = arith.subi %sign3A_427, %sign3A_430 : i32
      %ne3A_432 = arith.cmpi ne, %sign3A_424, %sign3A_431 : i32
      %rem3A_433 = arith.remsi %add3A_415, %jit3A_416 : i32
      %ne3A_434 = arith.constant 0 : i32
      %ne3A_435 = arith.cmpi ne, %rem3A_433, %ne3A_434 : i32
      %and3A_436 = arith.andi %ne3A_432, %ne3A_435 : i1
      %sub3A_437 = arith.constant 1 : i32
      %sub3A_438 = arith.subi %div3A_417, %sub3A_437 : i32
      %select_n3A_439 = arith.select %and3A_436, %sub3A_438, %div3A_417 : i32
      %rem3A_440 = arith.constant 128 : i32
      %rem3A_441 = arith.remsi %add3A_415, %rem3A_440 : i32
      %mul3A_442 = arith.constant 128 : i32
      %mul3A_443 = arith.muli %rem3A_441, %mul3A_442 : i32
      %mul3A_444 = arith.constant 128 : i32
      %mul3A_445 = arith.muli %add3A_414, %mul3A_444 : i32
      %dma_wait3A_446 = tpu.memref_slice %arg4[%mul3A_445] : memref<13312xi32, #tpu.memory_space<vmem>> -> memref<128xi32, #tpu.memory_space<vmem>>
      %dma_wait3A_447 = tpu.memref_slice %arg2[%select_n3A_439, %mul3A_443] : memref<26x16384xi32, #tpu.memory_space<hbm>> -> memref<1x128xi32, #tpu.memory_space<hbm>>
      %dma_wait3A_448 = tpu.memref_squeeze %dma_wait3A_447 : memref<1x128xi32, #tpu.memory_space<hbm>> -> memref<128xi32, #tpu.memory_space<hbm>>
      %dma_wait3A_449 = tpu.memref_slice %arg4[%mul3A_445] : memref<13312xi32, #tpu.memory_space<vmem>> -> memref<128xi32, #tpu.memory_space<vmem>>
      %dma_wait3A_450 = tpu.memref_slice %arg2[%select_n3A_439, %mul3A_443] : memref<26x16384xi32, #tpu.memory_space<hbm>> -> memref<1x128xi32, #tpu.memory_space<hbm>>
      %dma_wait3A_451 = tpu.memref_squeeze %dma_wait3A_450 : memref<1x128xi32, #tpu.memory_space<hbm>> -> memref<128xi32, #tpu.memory_space<hbm>>
      tpu.wait_dma2 semaphore(%arg5 : memref<!tpu.dma_semaphore, #tpu.memory_space<semaphore_mem>>) src(%dma_wait3A_451 : memref<128xi32, #tpu.memory_space<hbm>>) dst(%dma_wait3A_449 : memref<128xi32, #tpu.memory_space<vmem>>)
      %mul3A_452 = arith.constant 8 : i32
      %mul3A_453 = arith.muli %scan3A_10, %mul3A_452 : i32
      %add3A_454 = arith.constant 3 : i32
      %add3A_455 = arith.addi %mul3A_453, %add3A_454 : i32
      %add3A_456 = arith.addi %mul3A_2, %add3A_455 : i32
      %jit3A_457 = arith.constant 128 : i32
      %div3A_458 = arith.divsi %add3A_456, %jit3A_457 : i32
      %sign3A_459 = arith.constant 0 : i32
      %sign3A_460 = arith.cmpi sgt, %add3A_456, %sign3A_459 : i32
      %sign3A_461 = arith.extui %sign3A_460 : i1 to i32
      %sign3A_462 = arith.constant 0 : i32
      %sign3A_463 = arith.cmpi slt, %add3A_456, %sign3A_462 : i32
      %sign3A_464 = arith.extui %sign3A_463 : i1 to i32
      %sign3A_465 = arith.subi %sign3A_461, %sign3A_464 : i32
      %sign3A_466 = arith.constant 0 : i32
      %sign3A_467 = arith.cmpi sgt, %jit3A_457, %sign3A_466 : i32
      %sign3A_468 = arith.extui %sign3A_467 : i1 to i32
      %sign3A_469 = arith.constant 0 : i32
      %sign3A_470 = arith.cmpi slt, %jit3A_457, %sign3A_469 : i32
      %sign3A_471 = arith.extui %sign3A_470 : i1 to i32
      %sign3A_472 = arith.subi %sign3A_468, %sign3A_471 : i32
      %ne3A_473 = arith.cmpi ne, %sign3A_465, %sign3A_472 : i32
      %rem3A_474 = arith.remsi %add3A_456, %jit3A_457 : i32
      %ne3A_475 = arith.constant 0 : i32
      %ne3A_476 = arith.cmpi ne, %rem3A_474, %ne3A_475 : i32
      %and3A_477 = arith.andi %ne3A_473, %ne3A_476 : i1
      %sub3A_478 = arith.constant 1 : i32
      %sub3A_479 = arith.subi %div3A_458, %sub3A_478 : i32
      %select_n3A_480 = arith.select %and3A_477, %sub3A_479, %div3A_458 : i32
      %rem3A_481 = arith.constant 128 : i32
      %rem3A_482 = arith.remsi %add3A_456, %rem3A_481 : i32
      %mul3A_483 = arith.constant 128 : i32
      %mul3A_484 = arith.muli %rem3A_482, %mul3A_483 : i32
      %mul3A_485 = arith.constant 128 : i32
      %mul3A_486 = arith.muli %add3A_455, %mul3A_485 : i32
      %dma_wait3A_487 = tpu.memref_slice %arg4[%mul3A_486] : memref<13312xi32, #tpu.memory_space<vmem>> -> memref<128xi32, #tpu.memory_space<vmem>>
      %dma_wait3A_488 = tpu.memref_slice %arg2[%select_n3A_480, %mul3A_484] : memref<26x16384xi32, #tpu.memory_space<hbm>> -> memref<1x128xi32, #tpu.memory_space<hbm>>
      %dma_wait3A_489 = tpu.memref_squeeze %dma_wait3A_488 : memref<1x128xi32, #tpu.memory_space<hbm>> -> memref<128xi32, #tpu.memory_space<hbm>>
      %dma_wait3A_490 = tpu.memref_slice %arg4[%mul3A_486] : memref<13312xi32, #tpu.memory_space<vmem>> -> memref<128xi32, #tpu.memory_space<vmem>>
      %dma_wait3A_491 = tpu.memref_slice %arg2[%select_n3A_480, %mul3A_484] : memref<26x16384xi32, #tpu.memory_space<hbm>> -> memref<1x128xi32, #tpu.memory_space<hbm>>
      %dma_wait3A_492 = tpu.memref_squeeze %dma_wait3A_491 : memref<1x128xi32, #tpu.memory_space<hbm>> -> memref<128xi32, #tpu.memory_space<hbm>>
      tpu.wait_dma2 semaphore(%arg5 : memref<!tpu.dma_semaphore, #tpu.memory_space<semaphore_mem>>) src(%dma_wait3A_492 : memref<128xi32, #tpu.memory_space<hbm>>) dst(%dma_wait3A_490 : memref<128xi32, #tpu.memory_space<vmem>>)
      %mul3A_493 = arith.constant 8 : i32
      %mul3A_494 = arith.muli %scan3A_10, %mul3A_493 : i32
      %add3A_495 = arith.constant 4 : i32
      %add3A_496 = arith.addi %mul3A_494, %add3A_495 : i32
      %add3A_497 = arith.addi %mul3A_2, %add3A_496 : i32
      %jit3A_498 = arith.constant 128 : i32
      %div3A_499 = arith.divsi %add3A_497, %jit3A_498 : i32
      %sign3A_500 = arith.constant 0 : i32
      %sign3A_501 = arith.cmpi sgt, %add3A_497, %sign3A_500 : i32
      %sign3A_502 = arith.extui %sign3A_501 : i1 to i32
      %sign3A_503 = arith.constant 0 : i32
      %sign3A_504 = arith.cmpi slt, %add3A_497, %sign3A_503 : i32
      %sign3A_505 = arith.extui %sign3A_504 : i1 to i32
      %sign3A_506 = arith.subi %sign3A_502, %sign3A_505 : i32
      %sign3A_507 = arith.constant 0 : i32
      %sign3A_508 = arith.cmpi sgt, %jit3A_498, %sign3A_507 : i32
      %sign3A_509 = arith.extui %sign3A_508 : i1 to i32
      %sign3A_510 = arith.constant 0 : i32
      %sign3A_511 = arith.cmpi slt, %jit3A_498, %sign3A_510 : i32
      %sign3A_512 = arith.extui %sign3A_511 : i1 to i32
      %sign3A_513 = arith.subi %sign3A_509, %sign3A_512 : i32
      %ne3A_514 = arith.cmpi ne, %sign3A_506, %sign3A_513 : i32
      %rem3A_515 = arith.remsi %add3A_497, %jit3A_498 : i32
      %ne3A_516 = arith.constant 0 : i32
      %ne3A_517 = arith.cmpi ne, %rem3A_515, %ne3A_516 : i32
      %and3A_518 = arith.andi %ne3A_514, %ne3A_517 : i1
      %sub3A_519 = arith.constant 1 : i32
      %sub3A_520 = arith.subi %div3A_499, %sub3A_519 : i32
      %select_n3A_521 = arith.select %and3A_518, %sub3A_520, %div3A_499 : i32
      %rem3A_522 = arith.constant 128 : i32
      %rem3A_523 = arith.remsi %add3A_497, %rem3A_522 : i32
      %mul3A_524 = arith.constant 128 : i32
      %mul3A_525 = arith.muli %rem3A_523, %mul3A_524 : i32
      %mul3A_526 = arith.constant 128 : i32
      %mul3A_527 = arith.muli %add3A_496, %mul3A_526 : i32
      %dma_wait3A_528 = tpu.memref_slice %arg4[%mul3A_527] : memref<13312xi32, #tpu.memory_space<vmem>> -> memref<128xi32, #tpu.memory_space<vmem>>
      %dma_wait3A_529 = tpu.memref_slice %arg2[%select_n3A_521, %mul3A_525] : memref<26x16384xi32, #tpu.memory_space<hbm>> -> memref<1x128xi32, #tpu.memory_space<hbm>>
      %dma_wait3A_530 = tpu.memref_squeeze %dma_wait3A_529 : memref<1x128xi32, #tpu.memory_space<hbm>> -> memref<128xi32, #tpu.memory_space<hbm>>
      %dma_wait3A_531 = tpu.memref_slice %arg4[%mul3A_527] : memref<13312xi32, #tpu.memory_space<vmem>> -> memref<128xi32, #tpu.memory_space<vmem>>
      %dma_wait3A_532 = tpu.memref_slice %arg2[%select_n3A_521, %mul3A_525] : memref<26x16384xi32, #tpu.memory_space<hbm>> -> memref<1x128xi32, #tpu.memory_space<hbm>>
      %dma_wait3A_533 = tpu.memref_squeeze %dma_wait3A_532 : memref<1x128xi32, #tpu.memory_space<hbm>> -> memref<128xi32, #tpu.memory_space<hbm>>
      tpu.wait_dma2 semaphore(%arg5 : memref<!tpu.dma_semaphore, #tpu.memory_space<semaphore_mem>>) src(%dma_wait3A_533 : memref<128xi32, #tpu.memory_space<hbm>>) dst(%dma_wait3A_531 : memref<128xi32, #tpu.memory_space<vmem>>)
      %mul3A_534 = arith.constant 8 : i32
      %mul3A_535 = arith.muli %scan3A_10, %mul3A_534 : i32
      %add3A_536 = arith.constant 5 : i32
      %add3A_537 = arith.addi %mul3A_535, %add3A_536 : i32
      %add3A_538 = arith.addi %mul3A_2, %add3A_537 : i32
      %jit3A_539 = arith.constant 128 : i32
      %div3A_540 = arith.divsi %add3A_538, %jit3A_539 : i32
      %sign3A_541 = arith.constant 0 : i32
      %sign3A_542 = arith.cmpi sgt, %add3A_538, %sign3A_541 : i32
      %sign3A_543 = arith.extui %sign3A_542 : i1 to i32
      %sign3A_544 = arith.constant 0 : i32
      %sign3A_545 = arith.cmpi slt, %add3A_538, %sign3A_544 : i32
      %sign3A_546 = arith.extui %sign3A_545 : i1 to i32
      %sign3A_547 = arith.subi %sign3A_543, %sign3A_546 : i32
      %sign3A_548 = arith.constant 0 : i32
      %sign3A_549 = arith.cmpi sgt, %jit3A_539, %sign3A_548 : i32
      %sign3A_550 = arith.extui %sign3A_549 : i1 to i32
      %sign3A_551 = arith.constant 0 : i32
      %sign3A_552 = arith.cmpi slt, %jit3A_539, %sign3A_551 : i32
      %sign3A_553 = arith.extui %sign3A_552 : i1 to i32
      %sign3A_554 = arith.subi %sign3A_550, %sign3A_553 : i32
      %ne3A_555 = arith.cmpi ne, %sign3A_547, %sign3A_554 : i32
      %rem3A_556 = arith.remsi %add3A_538, %jit3A_539 : i32
      %ne3A_557 = arith.constant 0 : i32
      %ne3A_558 = arith.cmpi ne, %rem3A_556, %ne3A_557 : i32
      %and3A_559 = arith.andi %ne3A_555, %ne3A_558 : i1
      %sub3A_560 = arith.constant 1 : i32
      %sub3A_561 = arith.subi %div3A_540, %sub3A_560 : i32
      %select_n3A_562 = arith.select %and3A_559, %sub3A_561, %div3A_540 : i32
      %rem3A_563 = arith.constant 128 : i32
      %rem3A_564 = arith.remsi %add3A_538, %rem3A_563 : i32
      %mul3A_565 = arith.constant 128 : i32
      %mul3A_566 = arith.muli %rem3A_564, %mul3A_565 : i32
      %mul3A_567 = arith.constant 128 : i32
      %mul3A_568 = arith.muli %add3A_537, %mul3A_567 : i32
      %dma_wait3A_569 = tpu.memref_slice %arg4[%mul3A_568] : memref<13312xi32, #tpu.memory_space<vmem>> -> memref<128xi32, #tpu.memory_space<vmem>>
      %dma_wait3A_570 = tpu.memref_slice %arg2[%select_n3A_562, %mul3A_566] : memref<26x16384xi32, #tpu.memory_space<hbm>> -> memref<1x128xi32, #tpu.memory_space<hbm>>
      %dma_wait3A_571 = tpu.memref_squeeze %dma_wait3A_570 : memref<1x128xi32, #tpu.memory_space<hbm>> -> memref<128xi32, #tpu.memory_space<hbm>>
      %dma_wait3A_572 = tpu.memref_slice %arg4[%mul3A_568] : memref<13312xi32, #tpu.memory_space<vmem>> -> memref<128xi32, #tpu.memory_space<vmem>>
      %dma_wait3A_573 = tpu.memref_slice %arg2[%select_n3A_562, %mul3A_566] : memref<26x16384xi32, #tpu.memory_space<hbm>> -> memref<1x128xi32, #tpu.memory_space<hbm>>
      %dma_wait3A_574 = tpu.memref_squeeze %dma_wait3A_573 : memref<1x128xi32, #tpu.memory_space<hbm>> -> memref<128xi32, #tpu.memory_space<hbm>>
      tpu.wait_dma2 semaphore(%arg5 : memref<!tpu.dma_semaphore, #tpu.memory_space<semaphore_mem>>) src(%dma_wait3A_574 : memref<128xi32, #tpu.memory_space<hbm>>) dst(%dma_wait3A_572 : memref<128xi32, #tpu.memory_space<vmem>>)
      %mul3A_575 = arith.constant 8 : i32
      %mul3A_576 = arith.muli %scan3A_10, %mul3A_575 : i32
      %add3A_577 = arith.constant 6 : i32
      %add3A_578 = arith.addi %mul3A_576, %add3A_577 : i32
      %add3A_579 = arith.addi %mul3A_2, %add3A_578 : i32
      %jit3A_580 = arith.constant 128 : i32
      %div3A_581 = arith.divsi %add3A_579, %jit3A_580 : i32
      %sign3A_582 = arith.constant 0 : i32
      %sign3A_583 = arith.cmpi sgt, %add3A_579, %sign3A_582 : i32
      %sign3A_584 = arith.extui %sign3A_583 : i1 to i32
      %sign3A_585 = arith.constant 0 : i32
      %sign3A_586 = arith.cmpi slt, %add3A_579, %sign3A_585 : i32
      %sign3A_587 = arith.extui %sign3A_586 : i1 to i32
      %sign3A_588 = arith.subi %sign3A_584, %sign3A_587 : i32
      %sign3A_589 = arith.constant 0 : i32
      %sign3A_590 = arith.cmpi sgt, %jit3A_580, %sign3A_589 : i32
      %sign3A_591 = arith.extui %sign3A_590 : i1 to i32
      %sign3A_592 = arith.constant 0 : i32
      %sign3A_593 = arith.cmpi slt, %jit3A_580, %sign3A_592 : i32
      %sign3A_594 = arith.extui %sign3A_593 : i1 to i32
      %sign3A_595 = arith.subi %sign3A_591, %sign3A_594 : i32
      %ne3A_596 = arith.cmpi ne, %sign3A_588, %sign3A_595 : i32
      %rem3A_597 = arith.remsi %add3A_579, %jit3A_580 : i32
      %ne3A_598 = arith.constant 0 : i32
      %ne3A_599 = arith.cmpi ne, %rem3A_597, %ne3A_598 : i32
      %and3A_600 = arith.andi %ne3A_596, %ne3A_599 : i1
      %sub3A_601 = arith.constant 1 : i32
      %sub3A_602 = arith.subi %div3A_581, %sub3A_601 : i32
      %select_n3A_603 = arith.select %and3A_600, %sub3A_602, %div3A_581 : i32
      %rem3A_604 = arith.constant 128 : i32
      %rem3A_605 = arith.remsi %add3A_579, %rem3A_604 : i32
      %mul3A_606 = arith.constant 128 : i32
      %mul3A_607 = arith.muli %rem3A_605, %mul3A_606 : i32
      %mul3A_608 = arith.constant 128 : i32
      %mul3A_609 = arith.muli %add3A_578, %mul3A_608 : i32
      %dma_wait3A_610 = tpu.memref_slice %arg4[%mul3A_609] : memref<13312xi32, #tpu.memory_space<vmem>> -> memref<128xi32, #tpu.memory_space<vmem>>
      %dma_wait3A_611 = tpu.memref_slice %arg2[%select_n3A_603, %mul3A_607] : memref<26x16384xi32, #tpu.memory_space<hbm>> -> memref<1x128xi32, #tpu.memory_space<hbm>>
      %dma_wait3A_612 = tpu.memref_squeeze %dma_wait3A_611 : memref<1x128xi32, #tpu.memory_space<hbm>> -> memref<128xi32, #tpu.memory_space<hbm>>
      %dma_wait3A_613 = tpu.memref_slice %arg4[%mul3A_609] : memref<13312xi32, #tpu.memory_space<vmem>> -> memref<128xi32, #tpu.memory_space<vmem>>
      %dma_wait3A_614 = tpu.memref_slice %arg2[%select_n3A_603, %mul3A_607] : memref<26x16384xi32, #tpu.memory_space<hbm>> -> memref<1x128xi32, #tpu.memory_space<hbm>>
      %dma_wait3A_615 = tpu.memref_squeeze %dma_wait3A_614 : memref<1x128xi32, #tpu.memory_space<hbm>> -> memref<128xi32, #tpu.memory_space<hbm>>
      tpu.wait_dma2 semaphore(%arg5 : memref<!tpu.dma_semaphore, #tpu.memory_space<semaphore_mem>>) src(%dma_wait3A_615 : memref<128xi32, #tpu.memory_space<hbm>>) dst(%dma_wait3A_613 : memref<128xi32, #tpu.memory_space<vmem>>)
      %mul3A_616 = arith.constant 8 : i32
      %mul3A_617 = arith.muli %scan3A_10, %mul3A_616 : i32
      %add3A_618 = arith.constant 7 : i32
      %add3A_619 = arith.addi %mul3A_617, %add3A_618 : i32
      %add3A_620 = arith.addi %mul3A_2, %add3A_619 : i32
      %jit3A_621 = arith.constant 128 : i32
      %div3A_622 = arith.divsi %add3A_620, %jit3A_621 : i32
      %sign3A_623 = arith.constant 0 : i32
      %sign3A_624 = arith.cmpi sgt, %add3A_620, %sign3A_623 : i32
      %sign3A_625 = arith.extui %sign3A_624 : i1 to i32
      %sign3A_626 = arith.constant 0 : i32
      %sign3A_627 = arith.cmpi slt, %add3A_620, %sign3A_626 : i32
      %sign3A_628 = arith.extui %sign3A_627 : i1 to i32
      %sign3A_629 = arith.subi %sign3A_625, %sign3A_628 : i32
      %sign3A_630 = arith.constant 0 : i32
      %sign3A_631 = arith.cmpi sgt, %jit3A_621, %sign3A_630 : i32
      %sign3A_632 = arith.extui %sign3A_631 : i1 to i32
      %sign3A_633 = arith.constant 0 : i32
      %sign3A_634 = arith.cmpi slt, %jit3A_621, %sign3A_633 : i32
      %sign3A_635 = arith.extui %sign3A_634 : i1 to i32
      %sign3A_636 = arith.subi %sign3A_632, %sign3A_635 : i32
      %ne3A_637 = arith.cmpi ne, %sign3A_629, %sign3A_636 : i32
      %rem3A_638 = arith.remsi %add3A_620, %jit3A_621 : i32
      %ne3A_639 = arith.constant 0 : i32
      %ne3A_640 = arith.cmpi ne, %rem3A_638, %ne3A_639 : i32
      %and3A_641 = arith.andi %ne3A_637, %ne3A_640 : i1
      %sub3A_642 = arith.constant 1 : i32
      %sub3A_643 = arith.subi %div3A_622, %sub3A_642 : i32
      %select_n3A_644 = arith.select %and3A_641, %sub3A_643, %div3A_622 : i32
      %rem3A_645 = arith.constant 128 : i32
      %rem3A_646 = arith.remsi %add3A_620, %rem3A_645 : i32
      %mul3A_647 = arith.constant 128 : i32
      %mul3A_648 = arith.muli %rem3A_646, %mul3A_647 : i32
      %mul3A_649 = arith.constant 128 : i32
      %mul3A_650 = arith.muli %add3A_619, %mul3A_649 : i32
      %dma_wait3A_651 = tpu.memref_slice %arg4[%mul3A_650] : memref<13312xi32, #tpu.memory_space<vmem>> -> memref<128xi32, #tpu.memory_space<vmem>>
      %dma_wait3A_652 = tpu.memref_slice %arg2[%select_n3A_644, %mul3A_648] : memref<26x16384xi32, #tpu.memory_space<hbm>> -> memref<1x128xi32, #tpu.memory_space<hbm>>
      %dma_wait3A_653 = tpu.memref_squeeze %dma_wait3A_652 : memref<1x128xi32, #tpu.memory_space<hbm>> -> memref<128xi32, #tpu.memory_space<hbm>>
      %dma_wait3A_654 = tpu.memref_slice %arg4[%mul3A_650] : memref<13312xi32, #tpu.memory_space<vmem>> -> memref<128xi32, #tpu.memory_space<vmem>>
      %dma_wait3A_655 = tpu.memref_slice %arg2[%select_n3A_644, %mul3A_648] : memref<26x16384xi32, #tpu.memory_space<hbm>> -> memref<1x128xi32, #tpu.memory_space<hbm>>
      %dma_wait3A_656 = tpu.memref_squeeze %dma_wait3A_655 : memref<1x128xi32, #tpu.memory_space<hbm>> -> memref<128xi32, #tpu.memory_space<hbm>>
      tpu.wait_dma2 semaphore(%arg5 : memref<!tpu.dma_semaphore, #tpu.memory_space<semaphore_mem>>) src(%dma_wait3A_656 : memref<128xi32, #tpu.memory_space<hbm>>) dst(%dma_wait3A_654 : memref<128xi32, #tpu.memory_space<vmem>>)
    }
    %scan3A_7 = arith.constant 13 : i32
    %mul3A_8 = arith.constant 13312 : i32
    %mul3A_9 = arith.muli %add3A, %mul3A_8 : i32
    "tpu.region"() ({
      %run_scoped3A = tpu.sem_alloc : memref<!tpu.dma_semaphore, #tpu.memory_space<semaphore_mem>>
      %dma_start3A = tpu.memref_slice %arg3[%mul3A_9] : memref<425984xi32, #tpu.memory_space<hbm>> -> memref<13312xi32, #tpu.memory_space<hbm>>
      %dma_start3A_10 = tpu.memref_slice %arg3[%mul3A_9] : memref<425984xi32, #tpu.memory_space<hbm>> -> memref<13312xi32, #tpu.memory_space<hbm>>
      tpu.enqueue_dma source(%arg4 : memref<13312xi32, #tpu.memory_space<vmem>>) target(%dma_start3A_10 : memref<13312xi32, #tpu.memory_space<hbm>>) target_semaphore(%run_scoped3A : memref<!tpu.dma_semaphore, #tpu.memory_space<semaphore_mem>>)
      %dma_wait3A = tpu.memref_slice %arg3[%mul3A_9] : memref<425984xi32, #tpu.memory_space<hbm>> -> memref<13312xi32, #tpu.memory_space<hbm>>
      %dma_wait3A_11 = tpu.memref_slice %arg3[%mul3A_9] : memref<425984xi32, #tpu.memory_space<hbm>> -> memref<13312xi32, #tpu.memory_space<hbm>>
      tpu.wait_dma2 semaphore(%run_scoped3A : memref<!tpu.dma_semaphore, #tpu.memory_space<semaphore_mem>>) src(%arg4 : memref<13312xi32, #tpu.memory_space<vmem>>) dst(%dma_wait3A_11 : memref<13312xi32, #tpu.memory_space<hbm>>)
      tpu.yield
    }) : () -> ()
    return
  }
}

#map = affine_map<(d0, d1) -> (0)>
#map1 = affine_map<(d0, d1) -> (0, 0)>
module attributes {stable_mosaic.version = 14 : i64} {
  func.func @_embed_gather(%arg0: i32, %arg1: i32, %arg2: memref<425984xi32, #tpu.memory_space<hbm>>, %arg3: memref<1000000x64xf32, #tpu.memory_space<hbm>>, %arg4: memref<425984x64xf32, #tpu.memory_space<hbm>>, %arg5: memref<13312xi32, #tpu.memory_space<vmem>>, %arg6: memref<12x128x64xf32, #tpu.memory_space<vmem>>, %arg7: memref<!tpu.dma_semaphore, #tpu.memory_space<semaphore_mem>>, %arg8: memref<!tpu.dma_semaphore, #tpu.memory_space<semaphore_mem>>) attributes {dimension_semantics = [#tpu.dimension_semantics<core_parallel>, #tpu.dimension_semantics<subcore_parallel>], iteration_bounds = array<i64: 2, 16>, scalar_prefetch = 0 : i64, scratch_operands = 4 : i64, tpu.core_type = #tpu.core_type<sc_vector_subcore>, window_params = [{transform_indices = #map}, {transform_indices = #map1}, {transform_indices = #map1}]} {
    %mul3A = arith.constant 2 : i32
    %mul3A_0 = arith.muli %arg1, %mul3A : i32
    %add3A = arith.addi %mul3A_0, %arg0 : i32
    %mul3A_1 = arith.constant 13312 : i32
    %mul3A_2 = arith.muli %add3A, %mul3A_1 : i32
    "tpu.region"() ({
      %run_scoped3A = tpu.sem_alloc : memref<!tpu.dma_semaphore, #tpu.memory_space<semaphore_mem>>
      %dma_start3A_150 = tpu.memref_slice %arg2[%mul3A_2] : memref<425984xi32, #tpu.memory_space<hbm>> -> memref<13312xi32, #tpu.memory_space<hbm>>
      %dma_start3A_151 = tpu.memref_slice %arg2[%mul3A_2] : memref<425984xi32, #tpu.memory_space<hbm>> -> memref<13312xi32, #tpu.memory_space<hbm>>
      tpu.enqueue_dma source(%dma_start3A_151 : memref<13312xi32, #tpu.memory_space<hbm>>) target(%arg5 : memref<13312xi32, #tpu.memory_space<vmem>>) target_semaphore(%run_scoped3A : memref<!tpu.dma_semaphore, #tpu.memory_space<semaphore_mem>>)
      %dma_wait3A_152 = tpu.memref_slice %arg2[%mul3A_2] : memref<425984xi32, #tpu.memory_space<hbm>> -> memref<13312xi32, #tpu.memory_space<hbm>>
      %dma_wait3A_153 = tpu.memref_slice %arg2[%mul3A_2] : memref<425984xi32, #tpu.memory_space<hbm>> -> memref<13312xi32, #tpu.memory_space<hbm>>
      tpu.wait_dma2 semaphore(%run_scoped3A : memref<!tpu.dma_semaphore, #tpu.memory_space<semaphore_mem>>) src(%dma_wait3A_153 : memref<13312xi32, #tpu.memory_space<hbm>>) dst(%arg5 : memref<13312xi32, #tpu.memory_space<vmem>>)
      tpu.yield
    }) : () -> ()
    %dma_start3A = arith.constant 0 : i32
    %dma_start3A_3 = arith.constant 0 : i32
    %dma_start3A_4 = arith.constant 0 : i32
    %dma_start3A_5 = tpu.memref_slice %arg6[%dma_start3A, %dma_start3A_3, %dma_start3A_4] : memref<12x128x64xf32, #tpu.memory_space<vmem>> -> memref<1x128x64xf32, #tpu.memory_space<vmem>>
    %dma_start3A_6 = tpu.memref_squeeze %dma_start3A_5 : memref<1x128x64xf32, #tpu.memory_space<vmem>> -> memref<128x64xf32, #tpu.memory_space<vmem>>
    %dma_start3A_7 = arith.constant 0 : i32
    %dma_start3A_8 = tpu.memref_slice %arg5[%dma_start3A_7] : memref<13312xi32, #tpu.memory_space<vmem>> -> memref<128xi32, #tpu.memory_space<vmem>>
    %dma_start3A_9 = arith.constant 0 : i32
    %dma_start3A_10 = arith.constant 0 : i32
    %dma_start3A_11 = tpu.memref_slice %arg3[%dma_start3A_9, %dma_start3A_10] : memref<1000000x64xf32, #tpu.memory_space<hbm>> -> memref<1000000x64xf32, #tpu.memory_space<hbm>>
    tpu.enqueue_indirect_dma source(%dma_start3A_11 : memref<1000000x64xf32, #tpu.memory_space<hbm>>) target(%dma_start3A_6 : memref<128x64xf32, #tpu.memory_space<vmem>>) offsets(%dma_start3A_8 : memref<128xi32, #tpu.memory_space<vmem>>) semaphore(%arg7 : memref<!tpu.dma_semaphore, #tpu.memory_space<semaphore_mem>>)
    %dma_start3A_12 = arith.constant 1 : i32
    %dma_start3A_13 = arith.constant 0 : i32
    %dma_start3A_14 = arith.constant 0 : i32
    %dma_start3A_15 = tpu.memref_slice %arg6[%dma_start3A_12, %dma_start3A_13, %dma_start3A_14] : memref<12x128x64xf32, #tpu.memory_space<vmem>> -> memref<1x128x64xf32, #tpu.memory_space<vmem>>
    %dma_start3A_16 = tpu.memref_squeeze %dma_start3A_15 : memref<1x128x64xf32, #tpu.memory_space<vmem>> -> memref<128x64xf32, #tpu.memory_space<vmem>>
    %dma_start3A_17 = arith.constant 128 : i32
    %dma_start3A_18 = tpu.memref_slice %arg5[%dma_start3A_17] : memref<13312xi32, #tpu.memory_space<vmem>> -> memref<128xi32, #tpu.memory_space<vmem>>
    %dma_start3A_19 = arith.constant 0 : i32
    %dma_start3A_20 = arith.constant 0 : i32
    %dma_start3A_21 = tpu.memref_slice %arg3[%dma_start3A_19, %dma_start3A_20] : memref<1000000x64xf32, #tpu.memory_space<hbm>> -> memref<1000000x64xf32, #tpu.memory_space<hbm>>
    tpu.enqueue_indirect_dma source(%dma_start3A_21 : memref<1000000x64xf32, #tpu.memory_space<hbm>>) target(%dma_start3A_16 : memref<128x64xf32, #tpu.memory_space<vmem>>) offsets(%dma_start3A_18 : memref<128xi32, #tpu.memory_space<vmem>>) semaphore(%arg7 : memref<!tpu.dma_semaphore, #tpu.memory_space<semaphore_mem>>)
    %dma_start3A_22 = arith.constant 2 : i32
    %dma_start3A_23 = arith.constant 0 : i32
    %dma_start3A_24 = arith.constant 0 : i32
    %dma_start3A_25 = tpu.memref_slice %arg6[%dma_start3A_22, %dma_start3A_23, %dma_start3A_24] : memref<12x128x64xf32, #tpu.memory_space<vmem>> -> memref<1x128x64xf32, #tpu.memory_space<vmem>>
    %dma_start3A_26 = tpu.memref_squeeze %dma_start3A_25 : memref<1x128x64xf32, #tpu.memory_space<vmem>> -> memref<128x64xf32, #tpu.memory_space<vmem>>
    %dma_start3A_27 = arith.constant 256 : i32
    %dma_start3A_28 = tpu.memref_slice %arg5[%dma_start3A_27] : memref<13312xi32, #tpu.memory_space<vmem>> -> memref<128xi32, #tpu.memory_space<vmem>>
    %dma_start3A_29 = arith.constant 0 : i32
    %dma_start3A_30 = arith.constant 0 : i32
    %dma_start3A_31 = tpu.memref_slice %arg3[%dma_start3A_29, %dma_start3A_30] : memref<1000000x64xf32, #tpu.memory_space<hbm>> -> memref<1000000x64xf32, #tpu.memory_space<hbm>>
    tpu.enqueue_indirect_dma source(%dma_start3A_31 : memref<1000000x64xf32, #tpu.memory_space<hbm>>) target(%dma_start3A_26 : memref<128x64xf32, #tpu.memory_space<vmem>>) offsets(%dma_start3A_28 : memref<128xi32, #tpu.memory_space<vmem>>) semaphore(%arg7 : memref<!tpu.dma_semaphore, #tpu.memory_space<semaphore_mem>>)
    %dma_start3A_32 = arith.constant 3 : i32
    %dma_start3A_33 = arith.constant 0 : i32
    %dma_start3A_34 = arith.constant 0 : i32
    %dma_start3A_35 = tpu.memref_slice %arg6[%dma_start3A_32, %dma_start3A_33, %dma_start3A_34] : memref<12x128x64xf32, #tpu.memory_space<vmem>> -> memref<1x128x64xf32, #tpu.memory_space<vmem>>
    %dma_start3A_36 = tpu.memref_squeeze %dma_start3A_35 : memref<1x128x64xf32, #tpu.memory_space<vmem>> -> memref<128x64xf32, #tpu.memory_space<vmem>>
    %dma_start3A_37 = arith.constant 384 : i32
    %dma_start3A_38 = tpu.memref_slice %arg5[%dma_start3A_37] : memref<13312xi32, #tpu.memory_space<vmem>> -> memref<128xi32, #tpu.memory_space<vmem>>
    %dma_start3A_39 = arith.constant 0 : i32
    %dma_start3A_40 = arith.constant 0 : i32
    %dma_start3A_41 = tpu.memref_slice %arg3[%dma_start3A_39, %dma_start3A_40] : memref<1000000x64xf32, #tpu.memory_space<hbm>> -> memref<1000000x64xf32, #tpu.memory_space<hbm>>
    tpu.enqueue_indirect_dma source(%dma_start3A_41 : memref<1000000x64xf32, #tpu.memory_space<hbm>>) target(%dma_start3A_36 : memref<128x64xf32, #tpu.memory_space<vmem>>) offsets(%dma_start3A_38 : memref<128xi32, #tpu.memory_space<vmem>>) semaphore(%arg7 : memref<!tpu.dma_semaphore, #tpu.memory_space<semaphore_mem>>)
    %scan3A = arith.constant 0 : i32
    %scan3A_42 = arith.constant 0 : i32
    %scan3A_43 = arith.constant 26 : i32
    %scan3A_44 = arith.addi %scan3A_42, %scan3A_43 : i32
    %scan3A_45 = arith.constant 1 : i32
    scf.for %scan3A_150 = %scan3A_42 to %scan3A_44 step %scan3A_45  : i32 {
      %ge3A = arith.constant 2 : i32
      %ge3A_151 = arith.cmpi sge, %scan3A_150, %ge3A : i32
      %convert_element_type3A = arith.extui %ge3A_151 : i1 to i32
      %cond3A = arith.constant 0 : i32
      %cond3A_152 = arith.cmpi ne, %convert_element_type3A, %cond3A : i32
      scf.if %cond3A_152 {
        %dma_wait3A_294 = arith.constant 0 : i32
        %dma_wait3A_295 = arith.constant 0 : i32
        %dma_wait3A_296 = arith.constant 0 : i32
        %dma_wait3A_297 = tpu.memref_slice %arg6[%dma_wait3A_294, %dma_wait3A_295, %dma_wait3A_296] : memref<12x128x64xf32, #tpu.memory_space<vmem>> -> memref<1x128x64xf32, #tpu.memory_space<vmem>>
        %dma_wait3A_298 = tpu.memref_squeeze %dma_wait3A_297 : memref<1x128x64xf32, #tpu.memory_space<vmem>> -> memref<128x64xf32, #tpu.memory_space<vmem>>
        %dma_wait3A_299 = arith.constant 0 : i32
        %dma_wait3A_300 = tpu.memref_slice %arg4[%mul3A_2, %dma_wait3A_299] : memref<425984x64xf32, #tpu.memory_space<hbm>> -> memref<128x64xf32, #tpu.memory_space<hbm>>
        %dma_wait3A_301 = arith.constant 0 : i32
        %dma_wait3A_302 = tpu.memref_slice %arg4[%mul3A_2, %dma_wait3A_301] : memref<425984x64xf32, #tpu.memory_space<hbm>> -> memref<128x64xf32, #tpu.memory_space<hbm>>
        %dma_wait3A_303 = arith.constant 0 : i32
        %dma_wait3A_304 = arith.constant 0 : i32
        %dma_wait3A_305 = tpu.memref_slice %arg6[%dma_wait3A_294, %dma_wait3A_303, %dma_wait3A_304] : memref<12x128x64xf32, #tpu.memory_space<vmem>> -> memref<1x128x64xf32, #tpu.memory_space<vmem>>
        %dma_wait3A_306 = tpu.memref_squeeze %dma_wait3A_305 : memref<1x128x64xf32, #tpu.memory_space<vmem>> -> memref<128x64xf32, #tpu.memory_space<vmem>>
        tpu.wait_dma2 semaphore(%arg8 : memref<!tpu.dma_semaphore, #tpu.memory_space<semaphore_mem>>) src(%dma_wait3A_306 : memref<128x64xf32, #tpu.memory_space<vmem>>) dst(%dma_wait3A_302 : memref<128x64xf32, #tpu.memory_space<hbm>>)
        %dma_wait3A_307 = arith.constant 1 : i32
        %dma_wait3A_308 = arith.constant 0 : i32
        %dma_wait3A_309 = arith.constant 0 : i32
        %dma_wait3A_310 = tpu.memref_slice %arg6[%dma_wait3A_307, %dma_wait3A_308, %dma_wait3A_309] : memref<12x128x64xf32, #tpu.memory_space<vmem>> -> memref<1x128x64xf32, #tpu.memory_space<vmem>>
        %dma_wait3A_311 = tpu.memref_squeeze %dma_wait3A_310 : memref<1x128x64xf32, #tpu.memory_space<vmem>> -> memref<128x64xf32, #tpu.memory_space<vmem>>
        %dma_wait3A_312 = arith.constant 0 : i32
        %dma_wait3A_313 = tpu.memref_slice %arg4[%mul3A_2, %dma_wait3A_312] : memref<425984x64xf32, #tpu.memory_space<hbm>> -> memref<128x64xf32, #tpu.memory_space<hbm>>
        %dma_wait3A_314 = arith.constant 0 : i32
        %dma_wait3A_315 = tpu.memref_slice %arg4[%mul3A_2, %dma_wait3A_314] : memref<425984x64xf32, #tpu.memory_space<hbm>> -> memref<128x64xf32, #tpu.memory_space<hbm>>
        %dma_wait3A_316 = arith.constant 0 : i32
        %dma_wait3A_317 = arith.constant 0 : i32
        %dma_wait3A_318 = tpu.memref_slice %arg6[%dma_wait3A_307, %dma_wait3A_316, %dma_wait3A_317] : memref<12x128x64xf32, #tpu.memory_space<vmem>> -> memref<1x128x64xf32, #tpu.memory_space<vmem>>
        %dma_wait3A_319 = tpu.memref_squeeze %dma_wait3A_318 : memref<1x128x64xf32, #tpu.memory_space<vmem>> -> memref<128x64xf32, #tpu.memory_space<vmem>>
        tpu.wait_dma2 semaphore(%arg8 : memref<!tpu.dma_semaphore, #tpu.memory_space<semaphore_mem>>) src(%dma_wait3A_319 : memref<128x64xf32, #tpu.memory_space<vmem>>) dst(%dma_wait3A_315 : memref<128x64xf32, #tpu.memory_space<hbm>>)
        %dma_wait3A_320 = arith.constant 2 : i32
        %dma_wait3A_321 = arith.constant 0 : i32
        %dma_wait3A_322 = arith.constant 0 : i32
        %dma_wait3A_323 = tpu.memref_slice %arg6[%dma_wait3A_320, %dma_wait3A_321, %dma_wait3A_322] : memref<12x128x64xf32, #tpu.memory_space<vmem>> -> memref<1x128x64xf32, #tpu.memory_space<vmem>>
        %dma_wait3A_324 = tpu.memref_squeeze %dma_wait3A_323 : memref<1x128x64xf32, #tpu.memory_space<vmem>> -> memref<128x64xf32, #tpu.memory_space<vmem>>
        %dma_wait3A_325 = arith.constant 0 : i32
        %dma_wait3A_326 = tpu.memref_slice %arg4[%mul3A_2, %dma_wait3A_325] : memref<425984x64xf32, #tpu.memory_space<hbm>> -> memref<128x64xf32, #tpu.memory_space<hbm>>
        %dma_wait3A_327 = arith.constant 0 : i32
        %dma_wait3A_328 = tpu.memref_slice %arg4[%mul3A_2, %dma_wait3A_327] : memref<425984x64xf32, #tpu.memory_space<hbm>> -> memref<128x64xf32, #tpu.memory_space<hbm>>
        %dma_wait3A_329 = arith.constant 0 : i32
        %dma_wait3A_330 = arith.constant 0 : i32
        %dma_wait3A_331 = tpu.memref_slice %arg6[%dma_wait3A_320, %dma_wait3A_329, %dma_wait3A_330] : memref<12x128x64xf32, #tpu.memory_space<vmem>> -> memref<1x128x64xf32, #tpu.memory_space<vmem>>
        %dma_wait3A_332 = tpu.memref_squeeze %dma_wait3A_331 : memref<1x128x64xf32, #tpu.memory_space<vmem>> -> memref<128x64xf32, #tpu.memory_space<vmem>>
        tpu.wait_dma2 semaphore(%arg8 : memref<!tpu.dma_semaphore, #tpu.memory_space<semaphore_mem>>) src(%dma_wait3A_332 : memref<128x64xf32, #tpu.memory_space<vmem>>) dst(%dma_wait3A_328 : memref<128x64xf32, #tpu.memory_space<hbm>>)
        %dma_wait3A_333 = arith.constant 3 : i32
        %dma_wait3A_334 = arith.constant 0 : i32
        %dma_wait3A_335 = arith.constant 0 : i32
        %dma_wait3A_336 = tpu.memref_slice %arg6[%dma_wait3A_333, %dma_wait3A_334, %dma_wait3A_335] : memref<12x128x64xf32, #tpu.memory_space<vmem>> -> memref<1x128x64xf32, #tpu.memory_space<vmem>>
        %dma_wait3A_337 = tpu.memref_squeeze %dma_wait3A_336 : memref<1x128x64xf32, #tpu.memory_space<vmem>> -> memref<128x64xf32, #tpu.memory_space<vmem>>
        %dma_wait3A_338 = arith.constant 0 : i32
        %dma_wait3A_339 = tpu.memref_slice %arg4[%mul3A_2, %dma_wait3A_338] : memref<425984x64xf32, #tpu.memory_space<hbm>> -> memref<128x64xf32, #tpu.memory_space<hbm>>
        %dma_wait3A_340 = arith.constant 0 : i32
        %dma_wait3A_341 = tpu.memref_slice %arg4[%mul3A_2, %dma_wait3A_340] : memref<425984x64xf32, #tpu.memory_space<hbm>> -> memref<128x64xf32, #tpu.memory_space<hbm>>
        %dma_wait3A_342 = arith.constant 0 : i32
        %dma_wait3A_343 = arith.constant 0 : i32
        %dma_wait3A_344 = tpu.memref_slice %arg6[%dma_wait3A_333, %dma_wait3A_342, %dma_wait3A_343] : memref<12x128x64xf32, #tpu.memory_space<vmem>> -> memref<1x128x64xf32, #tpu.memory_space<vmem>>
        %dma_wait3A_345 = tpu.memref_squeeze %dma_wait3A_344 : memref<1x128x64xf32, #tpu.memory_space<vmem>> -> memref<128x64xf32, #tpu.memory_space<vmem>>
        tpu.wait_dma2 semaphore(%arg8 : memref<!tpu.dma_semaphore, #tpu.memory_space<semaphore_mem>>) src(%dma_wait3A_345 : memref<128x64xf32, #tpu.memory_space<vmem>>) dst(%dma_wait3A_341 : memref<128x64xf32, #tpu.memory_space<hbm>>)
      } else {
      }
      %add3A_153 = arith.constant 1 : i32
      %add3A_154 = arith.addi %scan3A_150, %add3A_153 : i32
      %lt3A = arith.constant 26 : i32
      %lt3A_155 = arith.cmpi slt, %add3A_154, %lt3A : i32
      %convert_element_type3A_156 = arith.extui %lt3A_155 : i1 to i32
      %cond3A_157 = arith.constant 0 : i32
      %cond3A_158 = arith.cmpi ne, %convert_element_type3A_156, %cond3A_157 : i32
      scf.if %cond3A_158 {
        %add3A_294 = arith.constant 1 : i32
        %add3A_295 = arith.addi %scan3A_150, %add3A_294 : i32
        %rem3A_296 = arith.constant 3 : i32
        %rem3A_297 = arith.remsi %add3A_295, %rem3A_296 : i32
        %mul3A_298 = arith.constant 4 : i32
        %mul3A_299 = arith.muli %rem3A_297, %mul3A_298 : i32
        %add3A_300 = arith.constant 1 : i32
        %add3A_301 = arith.addi %scan3A_150, %add3A_300 : i32
        %mul3A_302 = arith.constant 4 : i32
        %mul3A_303 = arith.muli %add3A_301, %mul3A_302 : i32
        %add3A_304 = arith.constant 0 : i32
        %add3A_305 = arith.addi %mul3A_303, %add3A_304 : i32
        %mul3A_306 = arith.constant 128 : i32
        %mul3A_307 = arith.muli %add3A_305, %mul3A_306 : i32
        %add3A_308 = arith.constant 0 : i32
        %add3A_309 = arith.addi %mul3A_299, %add3A_308 : i32
        %dma_start3A_310 = arith.constant 0 : i32
        %dma_start3A_311 = arith.constant 0 : i32
        %dma_start3A_312 = tpu.memref_slice %arg6[%add3A_309, %dma_start3A_310, %dma_start3A_311] : memref<12x128x64xf32, #tpu.memory_space<vmem>> -> memref<1x128x64xf32, #tpu.memory_space<vmem>>
        %dma_start3A_313 = tpu.memref_squeeze %dma_start3A_312 : memref<1x128x64xf32, #tpu.memory_space<vmem>> -> memref<128x64xf32, #tpu.memory_space<vmem>>
        %dma_start3A_314 = tpu.memref_slice %arg5[%mul3A_307] : memref<13312xi32, #tpu.memory_space<vmem>> -> memref<128xi32, #tpu.memory_space<vmem>>
        %dma_start3A_315 = arith.constant 0 : i32
        %dma_start3A_316 = arith.constant 0 : i32
        %dma_start3A_317 = tpu.memref_slice %arg3[%dma_start3A_315, %dma_start3A_316] : memref<1000000x64xf32, #tpu.memory_space<hbm>> -> memref<1000000x64xf32, #tpu.memory_space<hbm>>
        tpu.enqueue_indirect_dma source(%dma_start3A_317 : memref<1000000x64xf32, #tpu.memory_space<hbm>>) target(%dma_start3A_313 : memref<128x64xf32, #tpu.memory_space<vmem>>) offsets(%dma_start3A_314 : memref<128xi32, #tpu.memory_space<vmem>>) semaphore(%arg7 : memref<!tpu.dma_semaphore, #tpu.memory_space<semaphore_mem>>)
        %add3A_318 = arith.constant 1 : i32
        %add3A_319 = arith.addi %scan3A_150, %add3A_318 : i32
        %mul3A_320 = arith.constant 4 : i32
        %mul3A_321 = arith.muli %add3A_319, %mul3A_320 : i32
        %add3A_322 = arith.constant 1 : i32
        %add3A_323 = arith.addi %mul3A_321, %add3A_322 : i32
        %mul3A_324 = arith.constant 128 : i32
        %mul3A_325 = arith.muli %add3A_323, %mul3A_324 : i32
        %add3A_326 = arith.constant 1 : i32
        %add3A_327 = arith.addi %mul3A_299, %add3A_326 : i32
        %dma_start3A_328 = arith.constant 0 : i32
        %dma_start3A_329 = arith.constant 0 : i32
        %dma_start3A_330 = tpu.memref_slice %arg6[%add3A_327, %dma_start3A_328, %dma_start3A_329] : memref<12x128x64xf32, #tpu.memory_space<vmem>> -> memref<1x128x64xf32, #tpu.memory_space<vmem>>
        %dma_start3A_331 = tpu.memref_squeeze %dma_start3A_330 : memref<1x128x64xf32, #tpu.memory_space<vmem>> -> memref<128x64xf32, #tpu.memory_space<vmem>>
        %dma_start3A_332 = tpu.memref_slice %arg5[%mul3A_325] : memref<13312xi32, #tpu.memory_space<vmem>> -> memref<128xi32, #tpu.memory_space<vmem>>
        %dma_start3A_333 = arith.constant 0 : i32
        %dma_start3A_334 = arith.constant 0 : i32
        %dma_start3A_335 = tpu.memref_slice %arg3[%dma_start3A_333, %dma_start3A_334] : memref<1000000x64xf32, #tpu.memory_space<hbm>> -> memref<1000000x64xf32, #tpu.memory_space<hbm>>
        tpu.enqueue_indirect_dma source(%dma_start3A_335 : memref<1000000x64xf32, #tpu.memory_space<hbm>>) target(%dma_start3A_331 : memref<128x64xf32, #tpu.memory_space<vmem>>) offsets(%dma_start3A_332 : memref<128xi32, #tpu.memory_space<vmem>>) semaphore(%arg7 : memref<!tpu.dma_semaphore, #tpu.memory_space<semaphore_mem>>)
        %add3A_336 = arith.constant 1 : i32
        %add3A_337 = arith.addi %scan3A_150, %add3A_336 : i32
        %mul3A_338 = arith.constant 4 : i32
        %mul3A_339 = arith.muli %add3A_337, %mul3A_338 : i32
        %add3A_340 = arith.constant 2 : i32
        %add3A_341 = arith.addi %mul3A_339, %add3A_340 : i32
        %mul3A_342 = arith.constant 128 : i32
        %mul3A_343 = arith.muli %add3A_341, %mul3A_342 : i32
        %add3A_344 = arith.constant 2 : i32
        %add3A_345 = arith.addi %mul3A_299, %add3A_344 : i32
        %dma_start3A_346 = arith.constant 0 : i32
        %dma_start3A_347 = arith.constant 0 : i32
        %dma_start3A_348 = tpu.memref_slice %arg6[%add3A_345, %dma_start3A_346, %dma_start3A_347] : memref<12x128x64xf32, #tpu.memory_space<vmem>> -> memref<1x128x64xf32, #tpu.memory_space<vmem>>
        %dma_start3A_349 = tpu.memref_squeeze %dma_start3A_348 : memref<1x128x64xf32, #tpu.memory_space<vmem>> -> memref<128x64xf32, #tpu.memory_space<vmem>>
        %dma_start3A_350 = tpu.memref_slice %arg5[%mul3A_343] : memref<13312xi32, #tpu.memory_space<vmem>> -> memref<128xi32, #tpu.memory_space<vmem>>
        %dma_start3A_351 = arith.constant 0 : i32
        %dma_start3A_352 = arith.constant 0 : i32
        %dma_start3A_353 = tpu.memref_slice %arg3[%dma_start3A_351, %dma_start3A_352] : memref<1000000x64xf32, #tpu.memory_space<hbm>> -> memref<1000000x64xf32, #tpu.memory_space<hbm>>
        tpu.enqueue_indirect_dma source(%dma_start3A_353 : memref<1000000x64xf32, #tpu.memory_space<hbm>>) target(%dma_start3A_349 : memref<128x64xf32, #tpu.memory_space<vmem>>) offsets(%dma_start3A_350 : memref<128xi32, #tpu.memory_space<vmem>>) semaphore(%arg7 : memref<!tpu.dma_semaphore, #tpu.memory_space<semaphore_mem>>)
        %add3A_354 = arith.constant 1 : i32
        %add3A_355 = arith.addi %scan3A_150, %add3A_354 : i32
        %mul3A_356 = arith.constant 4 : i32
        %mul3A_357 = arith.muli %add3A_355, %mul3A_356 : i32
        %add3A_358 = arith.constant 3 : i32
        %add3A_359 = arith.addi %mul3A_357, %add3A_358 : i32
        %mul3A_360 = arith.constant 128 : i32
        %mul3A_361 = arith.muli %add3A_359, %mul3A_360 : i32
        %add3A_362 = arith.constant 3 : i32
        %add3A_363 = arith.addi %mul3A_299, %add3A_362 : i32
        %dma_start3A_364 = arith.constant 0 : i32
        %dma_start3A_365 = arith.constant 0 : i32
        %dma_start3A_366 = tpu.memref_slice %arg6[%add3A_363, %dma_start3A_364, %dma_start3A_365] : memref<12x128x64xf32, #tpu.memory_space<vmem>> -> memref<1x128x64xf32, #tpu.memory_space<vmem>>
        %dma_start3A_367 = tpu.memref_squeeze %dma_start3A_366 : memref<1x128x64xf32, #tpu.memory_space<vmem>> -> memref<128x64xf32, #tpu.memory_space<vmem>>
        %dma_start3A_368 = tpu.memref_slice %arg5[%mul3A_361] : memref<13312xi32, #tpu.memory_space<vmem>> -> memref<128xi32, #tpu.memory_space<vmem>>
        %dma_start3A_369 = arith.constant 0 : i32
        %dma_start3A_370 = arith.constant 0 : i32
        %dma_start3A_371 = tpu.memref_slice %arg3[%dma_start3A_369, %dma_start3A_370] : memref<1000000x64xf32, #tpu.memory_space<hbm>> -> memref<1000000x64xf32, #tpu.memory_space<hbm>>
        tpu.enqueue_indirect_dma source(%dma_start3A_371 : memref<1000000x64xf32, #tpu.memory_space<hbm>>) target(%dma_start3A_367 : memref<128x64xf32, #tpu.memory_space<vmem>>) offsets(%dma_start3A_368 : memref<128xi32, #tpu.memory_space<vmem>>) semaphore(%arg7 : memref<!tpu.dma_semaphore, #tpu.memory_space<semaphore_mem>>)
      } else {
      }
      %rem3A = arith.constant 3 : i32
      %rem3A_159 = arith.remsi %scan3A_150, %rem3A : i32
      %mul3A_160 = arith.constant 4 : i32
      %mul3A_161 = arith.muli %rem3A_159, %mul3A_160 : i32
      %mul3A_162 = arith.constant 4 : i32
      %mul3A_163 = arith.muli %scan3A_150, %mul3A_162 : i32
      %add3A_164 = arith.constant 0 : i32
      %add3A_165 = arith.addi %mul3A_163, %add3A_164 : i32
      %mul3A_166 = arith.constant 128 : i32
      %mul3A_167 = arith.muli %add3A_165, %mul3A_166 : i32
      %add3A_168 = arith.constant 0 : i32
      %add3A_169 = arith.addi %mul3A_161, %add3A_168 : i32
      %dma_wait3A_170 = arith.constant 0 : i32
      %dma_wait3A_171 = arith.constant 0 : i32
      %dma_wait3A_172 = tpu.memref_slice %arg6[%add3A_169, %dma_wait3A_170, %dma_wait3A_171] : memref<12x128x64xf32, #tpu.memory_space<vmem>> -> memref<1x128x64xf32, #tpu.memory_space<vmem>>
      %dma_wait3A_173 = tpu.memref_squeeze %dma_wait3A_172 : memref<1x128x64xf32, #tpu.memory_space<vmem>> -> memref<128x64xf32, #tpu.memory_space<vmem>>
      %dma_wait3A_174 = tpu.memref_slice %arg5[%mul3A_167] : memref<13312xi32, #tpu.memory_space<vmem>> -> memref<128xi32, #tpu.memory_space<vmem>>
      %dma_wait3A_175 = arith.constant 0 : i32
      %dma_wait3A_176 = arith.constant 0 : i32
      %dma_wait3A_177 = tpu.memref_slice %arg3[%dma_wait3A_175, %dma_wait3A_176] : memref<1000000x64xf32, #tpu.memory_space<hbm>> -> memref<1000000x64xf32, #tpu.memory_space<hbm>>
      tpu.wait_indirect_dma semaphore(%arg7 : memref<!tpu.dma_semaphore, #tpu.memory_space<semaphore_mem>>) src(%dma_wait3A_177 : memref<1000000x64xf32, #tpu.memory_space<hbm>>) dst(%dma_wait3A_173 : memref<128x64xf32, #tpu.memory_space<vmem>>)
      %add3A_178 = arith.constant 0 : i32
      %add3A_179 = arith.addi %mul3A_161, %add3A_178 : i32
      %mul3A_180 = arith.constant 128 : i32
      %mul3A_181 = arith.muli %add3A_165, %mul3A_180 : i32
      %add3A_182 = arith.addi %mul3A_2, %mul3A_181 : i32
      %dma_start3A_183 = arith.constant 0 : i32
      %dma_start3A_184 = arith.constant 0 : i32
      %dma_start3A_185 = tpu.memref_slice %arg6[%add3A_179, %dma_start3A_183, %dma_start3A_184] : memref<12x128x64xf32, #tpu.memory_space<vmem>> -> memref<1x128x64xf32, #tpu.memory_space<vmem>>
      %dma_start3A_186 = tpu.memref_squeeze %dma_start3A_185 : memref<1x128x64xf32, #tpu.memory_space<vmem>> -> memref<128x64xf32, #tpu.memory_space<vmem>>
      %dma_start3A_187 = arith.constant 0 : i32
      %dma_start3A_188 = tpu.memref_slice %arg4[%add3A_182, %dma_start3A_187] : memref<425984x64xf32, #tpu.memory_space<hbm>> -> memref<128x64xf32, #tpu.memory_space<hbm>>
      %dma_start3A_189 = arith.constant 0 : i32
      %dma_start3A_190 = tpu.memref_slice %arg4[%add3A_182, %dma_start3A_189] : memref<425984x64xf32, #tpu.memory_space<hbm>> -> memref<128x64xf32, #tpu.memory_space<hbm>>
      %dma_start3A_191 = arith.constant 0 : i32
      %dma_start3A_192 = arith.constant 0 : i32
      %dma_start3A_193 = tpu.memref_slice %arg6[%add3A_179, %dma_start3A_191, %dma_start3A_192] : memref<12x128x64xf32, #tpu.memory_space<vmem>> -> memref<1x128x64xf32, #tpu.memory_space<vmem>>
      %dma_start3A_194 = tpu.memref_squeeze %dma_start3A_193 : memref<1x128x64xf32, #tpu.memory_space<vmem>> -> memref<128x64xf32, #tpu.memory_space<vmem>>
      tpu.enqueue_dma source(%dma_start3A_194 : memref<128x64xf32, #tpu.memory_space<vmem>>) target(%dma_start3A_190 : memref<128x64xf32, #tpu.memory_space<hbm>>) target_semaphore(%arg8 : memref<!tpu.dma_semaphore, #tpu.memory_space<semaphore_mem>>)
      %mul3A_195 = arith.constant 4 : i32
      %mul3A_196 = arith.muli %scan3A_150, %mul3A_195 : i32
      %add3A_197 = arith.constant 1 : i32
      %add3A_198 = arith.addi %mul3A_196, %add3A_197 : i32
      %mul3A_199 = arith.constant 128 : i32
      %mul3A_200 = arith.muli %add3A_198, %mul3A_199 : i32
      %add3A_201 = arith.constant 1 : i32
      %add3A_202 = arith.addi %mul3A_161, %add3A_201 : i32
      %dma_wait3A_203 = arith.constant 0 : i32
      %dma_wait3A_204 = arith.constant 0 : i32
      %dma_wait3A_205 = tpu.memref_slice %arg6[%add3A_202, %dma_wait3A_203, %dma_wait3A_204] : memref<12x128x64xf32, #tpu.memory_space<vmem>> -> memref<1x128x64xf32, #tpu.memory_space<vmem>>
      %dma_wait3A_206 = tpu.memref_squeeze %dma_wait3A_205 : memref<1x128x64xf32, #tpu.memory_space<vmem>> -> memref<128x64xf32, #tpu.memory_space<vmem>>
      %dma_wait3A_207 = tpu.memref_slice %arg5[%mul3A_200] : memref<13312xi32, #tpu.memory_space<vmem>> -> memref<128xi32, #tpu.memory_space<vmem>>
      %dma_wait3A_208 = arith.constant 0 : i32
      %dma_wait3A_209 = arith.constant 0 : i32
      %dma_wait3A_210 = tpu.memref_slice %arg3[%dma_wait3A_208, %dma_wait3A_209] : memref<1000000x64xf32, #tpu.memory_space<hbm>> -> memref<1000000x64xf32, #tpu.memory_space<hbm>>
      tpu.wait_indirect_dma semaphore(%arg7 : memref<!tpu.dma_semaphore, #tpu.memory_space<semaphore_mem>>) src(%dma_wait3A_210 : memref<1000000x64xf32, #tpu.memory_space<hbm>>) dst(%dma_wait3A_206 : memref<128x64xf32, #tpu.memory_space<vmem>>)
      %add3A_211 = arith.constant 1 : i32
      %add3A_212 = arith.addi %mul3A_161, %add3A_211 : i32
      %mul3A_213 = arith.constant 128 : i32
      %mul3A_214 = arith.muli %add3A_198, %mul3A_213 : i32
      %add3A_215 = arith.addi %mul3A_2, %mul3A_214 : i32
      %dma_start3A_216 = arith.constant 0 : i32
      %dma_start3A_217 = arith.constant 0 : i32
      %dma_start3A_218 = tpu.memref_slice %arg6[%add3A_212, %dma_start3A_216, %dma_start3A_217] : memref<12x128x64xf32, #tpu.memory_space<vmem>> -> memref<1x128x64xf32, #tpu.memory_space<vmem>>
      %dma_start3A_219 = tpu.memref_squeeze %dma_start3A_218 : memref<1x128x64xf32, #tpu.memory_space<vmem>> -> memref<128x64xf32, #tpu.memory_space<vmem>>
      %dma_start3A_220 = arith.constant 0 : i32
      %dma_start3A_221 = tpu.memref_slice %arg4[%add3A_215, %dma_start3A_220] : memref<425984x64xf32, #tpu.memory_space<hbm>> -> memref<128x64xf32, #tpu.memory_space<hbm>>
      %dma_start3A_222 = arith.constant 0 : i32
      %dma_start3A_223 = tpu.memref_slice %arg4[%add3A_215, %dma_start3A_222] : memref<425984x64xf32, #tpu.memory_space<hbm>> -> memref<128x64xf32, #tpu.memory_space<hbm>>
      %dma_start3A_224 = arith.constant 0 : i32
      %dma_start3A_225 = arith.constant 0 : i32
      %dma_start3A_226 = tpu.memref_slice %arg6[%add3A_212, %dma_start3A_224, %dma_start3A_225] : memref<12x128x64xf32, #tpu.memory_space<vmem>> -> memref<1x128x64xf32, #tpu.memory_space<vmem>>
      %dma_start3A_227 = tpu.memref_squeeze %dma_start3A_226 : memref<1x128x64xf32, #tpu.memory_space<vmem>> -> memref<128x64xf32, #tpu.memory_space<vmem>>
      tpu.enqueue_dma source(%dma_start3A_227 : memref<128x64xf32, #tpu.memory_space<vmem>>) target(%dma_start3A_223 : memref<128x64xf32, #tpu.memory_space<hbm>>) target_semaphore(%arg8 : memref<!tpu.dma_semaphore, #tpu.memory_space<semaphore_mem>>)
      %mul3A_228 = arith.constant 4 : i32
      %mul3A_229 = arith.muli %scan3A_150, %mul3A_228 : i32
      %add3A_230 = arith.constant 2 : i32
      %add3A_231 = arith.addi %mul3A_229, %add3A_230 : i32
      %mul3A_232 = arith.constant 128 : i32
      %mul3A_233 = arith.muli %add3A_231, %mul3A_232 : i32
      %add3A_234 = arith.constant 2 : i32
      %add3A_235 = arith.addi %mul3A_161, %add3A_234 : i32
      %dma_wait3A_236 = arith.constant 0 : i32
      %dma_wait3A_237 = arith.constant 0 : i32
      %dma_wait3A_238 = tpu.memref_slice %arg6[%add3A_235, %dma_wait3A_236, %dma_wait3A_237] : memref<12x128x64xf32, #tpu.memory_space<vmem>> -> memref<1x128x64xf32, #tpu.memory_space<vmem>>
      %dma_wait3A_239 = tpu.memref_squeeze %dma_wait3A_238 : memref<1x128x64xf32, #tpu.memory_space<vmem>> -> memref<128x64xf32, #tpu.memory_space<vmem>>
      %dma_wait3A_240 = tpu.memref_slice %arg5[%mul3A_233] : memref<13312xi32, #tpu.memory_space<vmem>> -> memref<128xi32, #tpu.memory_space<vmem>>
      %dma_wait3A_241 = arith.constant 0 : i32
      %dma_wait3A_242 = arith.constant 0 : i32
      %dma_wait3A_243 = tpu.memref_slice %arg3[%dma_wait3A_241, %dma_wait3A_242] : memref<1000000x64xf32, #tpu.memory_space<hbm>> -> memref<1000000x64xf32, #tpu.memory_space<hbm>>
      tpu.wait_indirect_dma semaphore(%arg7 : memref<!tpu.dma_semaphore, #tpu.memory_space<semaphore_mem>>) src(%dma_wait3A_243 : memref<1000000x64xf32, #tpu.memory_space<hbm>>) dst(%dma_wait3A_239 : memref<128x64xf32, #tpu.memory_space<vmem>>)
      %add3A_244 = arith.constant 2 : i32
      %add3A_245 = arith.addi %mul3A_161, %add3A_244 : i32
      %mul3A_246 = arith.constant 128 : i32
      %mul3A_247 = arith.muli %add3A_231, %mul3A_246 : i32
      %add3A_248 = arith.addi %mul3A_2, %mul3A_247 : i32
      %dma_start3A_249 = arith.constant 0 : i32
      %dma_start3A_250 = arith.constant 0 : i32
      %dma_start3A_251 = tpu.memref_slice %arg6[%add3A_245, %dma_start3A_249, %dma_start3A_250] : memref<12x128x64xf32, #tpu.memory_space<vmem>> -> memref<1x128x64xf32, #tpu.memory_space<vmem>>
      %dma_start3A_252 = tpu.memref_squeeze %dma_start3A_251 : memref<1x128x64xf32, #tpu.memory_space<vmem>> -> memref<128x64xf32, #tpu.memory_space<vmem>>
      %dma_start3A_253 = arith.constant 0 : i32
      %dma_start3A_254 = tpu.memref_slice %arg4[%add3A_248, %dma_start3A_253] : memref<425984x64xf32, #tpu.memory_space<hbm>> -> memref<128x64xf32, #tpu.memory_space<hbm>>
      %dma_start3A_255 = arith.constant 0 : i32
      %dma_start3A_256 = tpu.memref_slice %arg4[%add3A_248, %dma_start3A_255] : memref<425984x64xf32, #tpu.memory_space<hbm>> -> memref<128x64xf32, #tpu.memory_space<hbm>>
      %dma_start3A_257 = arith.constant 0 : i32
      %dma_start3A_258 = arith.constant 0 : i32
      %dma_start3A_259 = tpu.memref_slice %arg6[%add3A_245, %dma_start3A_257, %dma_start3A_258] : memref<12x128x64xf32, #tpu.memory_space<vmem>> -> memref<1x128x64xf32, #tpu.memory_space<vmem>>
      %dma_start3A_260 = tpu.memref_squeeze %dma_start3A_259 : memref<1x128x64xf32, #tpu.memory_space<vmem>> -> memref<128x64xf32, #tpu.memory_space<vmem>>
      tpu.enqueue_dma source(%dma_start3A_260 : memref<128x64xf32, #tpu.memory_space<vmem>>) target(%dma_start3A_256 : memref<128x64xf32, #tpu.memory_space<hbm>>) target_semaphore(%arg8 : memref<!tpu.dma_semaphore, #tpu.memory_space<semaphore_mem>>)
      %mul3A_261 = arith.constant 4 : i32
      %mul3A_262 = arith.muli %scan3A_150, %mul3A_261 : i32
      %add3A_263 = arith.constant 3 : i32
      %add3A_264 = arith.addi %mul3A_262, %add3A_263 : i32
      %mul3A_265 = arith.constant 128 : i32
      %mul3A_266 = arith.muli %add3A_264, %mul3A_265 : i32
      %add3A_267 = arith.constant 3 : i32
      %add3A_268 = arith.addi %mul3A_161, %add3A_267 : i32
      %dma_wait3A_269 = arith.constant 0 : i32
      %dma_wait3A_270 = arith.constant 0 : i32
      %dma_wait3A_271 = tpu.memref_slice %arg6[%add3A_268, %dma_wait3A_269, %dma_wait3A_270] : memref<12x128x64xf32, #tpu.memory_space<vmem>> -> memref<1x128x64xf32, #tpu.memory_space<vmem>>
      %dma_wait3A_272 = tpu.memref_squeeze %dma_wait3A_271 : memref<1x128x64xf32, #tpu.memory_space<vmem>> -> memref<128x64xf32, #tpu.memory_space<vmem>>
      %dma_wait3A_273 = tpu.memref_slice %arg5[%mul3A_266] : memref<13312xi32, #tpu.memory_space<vmem>> -> memref<128xi32, #tpu.memory_space<vmem>>
      %dma_wait3A_274 = arith.constant 0 : i32
      %dma_wait3A_275 = arith.constant 0 : i32
      %dma_wait3A_276 = tpu.memref_slice %arg3[%dma_wait3A_274, %dma_wait3A_275] : memref<1000000x64xf32, #tpu.memory_space<hbm>> -> memref<1000000x64xf32, #tpu.memory_space<hbm>>
      tpu.wait_indirect_dma semaphore(%arg7 : memref<!tpu.dma_semaphore, #tpu.memory_space<semaphore_mem>>) src(%dma_wait3A_276 : memref<1000000x64xf32, #tpu.memory_space<hbm>>) dst(%dma_wait3A_272 : memref<128x64xf32, #tpu.memory_space<vmem>>)
      %add3A_277 = arith.constant 3 : i32
      %add3A_278 = arith.addi %mul3A_161, %add3A_277 : i32
      %mul3A_279 = arith.constant 128 : i32
      %mul3A_280 = arith.muli %add3A_264, %mul3A_279 : i32
      %add3A_281 = arith.addi %mul3A_2, %mul3A_280 : i32
      %dma_start3A_282 = arith.constant 0 : i32
      %dma_start3A_283 = arith.constant 0 : i32
      %dma_start3A_284 = tpu.memref_slice %arg6[%add3A_278, %dma_start3A_282, %dma_start3A_283] : memref<12x128x64xf32, #tpu.memory_space<vmem>> -> memref<1x128x64xf32, #tpu.memory_space<vmem>>
      %dma_start3A_285 = tpu.memref_squeeze %dma_start3A_284 : memref<1x128x64xf32, #tpu.memory_space<vmem>> -> memref<128x64xf32, #tpu.memory_space<vmem>>
      %dma_start3A_286 = arith.constant 0 : i32
      %dma_start3A_287 = tpu.memref_slice %arg4[%add3A_281, %dma_start3A_286] : memref<425984x64xf32, #tpu.memory_space<hbm>> -> memref<128x64xf32, #tpu.memory_space<hbm>>
      %dma_start3A_288 = arith.constant 0 : i32
      %dma_start3A_289 = tpu.memref_slice %arg4[%add3A_281, %dma_start3A_288] : memref<425984x64xf32, #tpu.memory_space<hbm>> -> memref<128x64xf32, #tpu.memory_space<hbm>>
      %dma_start3A_290 = arith.constant 0 : i32
      %dma_start3A_291 = arith.constant 0 : i32
      %dma_start3A_292 = tpu.memref_slice %arg6[%add3A_278, %dma_start3A_290, %dma_start3A_291] : memref<12x128x64xf32, #tpu.memory_space<vmem>> -> memref<1x128x64xf32, #tpu.memory_space<vmem>>
      %dma_start3A_293 = tpu.memref_squeeze %dma_start3A_292 : memref<1x128x64xf32, #tpu.memory_space<vmem>> -> memref<128x64xf32, #tpu.memory_space<vmem>>
      tpu.enqueue_dma source(%dma_start3A_293 : memref<128x64xf32, #tpu.memory_space<vmem>>) target(%dma_start3A_289 : memref<128x64xf32, #tpu.memory_space<hbm>>) target_semaphore(%arg8 : memref<!tpu.dma_semaphore, #tpu.memory_space<semaphore_mem>>)
    }
    %scan3A_46 = arith.constant 26 : i32
    %dma_wait3A = arith.constant 0 : i32
    %dma_wait3A_47 = arith.constant 0 : i32
    %dma_wait3A_48 = arith.constant 0 : i32
    %dma_wait3A_49 = tpu.memref_slice %arg6[%dma_wait3A, %dma_wait3A_47, %dma_wait3A_48] : memref<12x128x64xf32, #tpu.memory_space<vmem>> -> memref<1x128x64xf32, #tpu.memory_space<vmem>>
    %dma_wait3A_50 = tpu.memref_squeeze %dma_wait3A_49 : memref<1x128x64xf32, #tpu.memory_space<vmem>> -> memref<128x64xf32, #tpu.memory_space<vmem>>
    %dma_wait3A_51 = arith.constant 0 : i32
    %dma_wait3A_52 = tpu.memref_slice %arg4[%mul3A_2, %dma_wait3A_51] : memref<425984x64xf32, #tpu.memory_space<hbm>> -> memref<128x64xf32, #tpu.memory_space<hbm>>
    %dma_wait3A_53 = arith.constant 0 : i32
    %dma_wait3A_54 = tpu.memref_slice %arg4[%mul3A_2, %dma_wait3A_53] : memref<425984x64xf32, #tpu.memory_space<hbm>> -> memref<128x64xf32, #tpu.memory_space<hbm>>
    %dma_wait3A_55 = arith.constant 0 : i32
    %dma_wait3A_56 = arith.constant 0 : i32
    %dma_wait3A_57 = tpu.memref_slice %arg6[%dma_wait3A, %dma_wait3A_55, %dma_wait3A_56] : memref<12x128x64xf32, #tpu.memory_space<vmem>> -> memref<1x128x64xf32, #tpu.memory_space<vmem>>
    %dma_wait3A_58 = tpu.memref_squeeze %dma_wait3A_57 : memref<1x128x64xf32, #tpu.memory_space<vmem>> -> memref<128x64xf32, #tpu.memory_space<vmem>>
    tpu.wait_dma2 semaphore(%arg8 : memref<!tpu.dma_semaphore, #tpu.memory_space<semaphore_mem>>) src(%dma_wait3A_58 : memref<128x64xf32, #tpu.memory_space<vmem>>) dst(%dma_wait3A_54 : memref<128x64xf32, #tpu.memory_space<hbm>>)
    %dma_wait3A_59 = arith.constant 0 : i32
    %dma_wait3A_60 = arith.constant 0 : i32
    %dma_wait3A_61 = arith.constant 0 : i32
    %dma_wait3A_62 = tpu.memref_slice %arg6[%dma_wait3A_59, %dma_wait3A_60, %dma_wait3A_61] : memref<12x128x64xf32, #tpu.memory_space<vmem>> -> memref<1x128x64xf32, #tpu.memory_space<vmem>>
    %dma_wait3A_63 = tpu.memref_squeeze %dma_wait3A_62 : memref<1x128x64xf32, #tpu.memory_space<vmem>> -> memref<128x64xf32, #tpu.memory_space<vmem>>
    %dma_wait3A_64 = arith.constant 0 : i32
    %dma_wait3A_65 = tpu.memref_slice %arg4[%mul3A_2, %dma_wait3A_64] : memref<425984x64xf32, #tpu.memory_space<hbm>> -> memref<128x64xf32, #tpu.memory_space<hbm>>
    %dma_wait3A_66 = arith.constant 0 : i32
    %dma_wait3A_67 = tpu.memref_slice %arg4[%mul3A_2, %dma_wait3A_66] : memref<425984x64xf32, #tpu.memory_space<hbm>> -> memref<128x64xf32, #tpu.memory_space<hbm>>
    %dma_wait3A_68 = arith.constant 0 : i32
    %dma_wait3A_69 = arith.constant 0 : i32
    %dma_wait3A_70 = tpu.memref_slice %arg6[%dma_wait3A_59, %dma_wait3A_68, %dma_wait3A_69] : memref<12x128x64xf32, #tpu.memory_space<vmem>> -> memref<1x128x64xf32, #tpu.memory_space<vmem>>
    %dma_wait3A_71 = tpu.memref_squeeze %dma_wait3A_70 : memref<1x128x64xf32, #tpu.memory_space<vmem>> -> memref<128x64xf32, #tpu.memory_space<vmem>>
    tpu.wait_dma2 semaphore(%arg8 : memref<!tpu.dma_semaphore, #tpu.memory_space<semaphore_mem>>) src(%dma_wait3A_71 : memref<128x64xf32, #tpu.memory_space<vmem>>) dst(%dma_wait3A_67 : memref<128x64xf32, #tpu.memory_space<hbm>>)
    %dma_wait3A_72 = arith.constant 0 : i32
    %dma_wait3A_73 = arith.constant 0 : i32
    %dma_wait3A_74 = arith.constant 0 : i32
    %dma_wait3A_75 = tpu.memref_slice %arg6[%dma_wait3A_72, %dma_wait3A_73, %dma_wait3A_74] : memref<12x128x64xf32, #tpu.memory_space<vmem>> -> memref<1x128x64xf32, #tpu.memory_space<vmem>>
    %dma_wait3A_76 = tpu.memref_squeeze %dma_wait3A_75 : memref<1x128x64xf32, #tpu.memory_space<vmem>> -> memref<128x64xf32, #tpu.memory_space<vmem>>
    %dma_wait3A_77 = arith.constant 0 : i32
    %dma_wait3A_78 = tpu.memref_slice %arg4[%mul3A_2, %dma_wait3A_77] : memref<425984x64xf32, #tpu.memory_space<hbm>> -> memref<128x64xf32, #tpu.memory_space<hbm>>
    %dma_wait3A_79 = arith.constant 0 : i32
    %dma_wait3A_80 = tpu.memref_slice %arg4[%mul3A_2, %dma_wait3A_79] : memref<425984x64xf32, #tpu.memory_space<hbm>> -> memref<128x64xf32, #tpu.memory_space<hbm>>
    %dma_wait3A_81 = arith.constant 0 : i32
    %dma_wait3A_82 = arith.constant 0 : i32
    %dma_wait3A_83 = tpu.memref_slice %arg6[%dma_wait3A_72, %dma_wait3A_81, %dma_wait3A_82] : memref<12x128x64xf32, #tpu.memory_space<vmem>> -> memref<1x128x64xf32, #tpu.memory_space<vmem>>
    %dma_wait3A_84 = tpu.memref_squeeze %dma_wait3A_83 : memref<1x128x64xf32, #tpu.memory_space<vmem>> -> memref<128x64xf32, #tpu.memory_space<vmem>>
    tpu.wait_dma2 semaphore(%arg8 : memref<!tpu.dma_semaphore, #tpu.memory_space<semaphore_mem>>) src(%dma_wait3A_84 : memref<128x64xf32, #tpu.memory_space<vmem>>) dst(%dma_wait3A_80 : memref<128x64xf32, #tpu.memory_space<hbm>>)
    %dma_wait3A_85 = arith.constant 0 : i32
    %dma_wait3A_86 = arith.constant 0 : i32
    %dma_wait3A_87 = arith.constant 0 : i32
    %dma_wait3A_88 = tpu.memref_slice %arg6[%dma_wait3A_85, %dma_wait3A_86, %dma_wait3A_87] : memref<12x128x64xf32, #tpu.memory_space<vmem>> -> memref<1x128x64xf32, #tpu.memory_space<vmem>>
    %dma_wait3A_89 = tpu.memref_squeeze %dma_wait3A_88 : memref<1x128x64xf32, #tpu.memory_space<vmem>> -> memref<128x64xf32, #tpu.memory_space<vmem>>
    %dma_wait3A_90 = arith.constant 0 : i32
    %dma_wait3A_91 = tpu.memref_slice %arg4[%mul3A_2, %dma_wait3A_90] : memref<425984x64xf32, #tpu.memory_space<hbm>> -> memref<128x64xf32, #tpu.memory_space<hbm>>
    %dma_wait3A_92 = arith.constant 0 : i32
    %dma_wait3A_93 = tpu.memref_slice %arg4[%mul3A_2, %dma_wait3A_92] : memref<425984x64xf32, #tpu.memory_space<hbm>> -> memref<128x64xf32, #tpu.memory_space<hbm>>
    %dma_wait3A_94 = arith.constant 0 : i32
    %dma_wait3A_95 = arith.constant 0 : i32
    %dma_wait3A_96 = tpu.memref_slice %arg6[%dma_wait3A_85, %dma_wait3A_94, %dma_wait3A_95] : memref<12x128x64xf32, #tpu.memory_space<vmem>> -> memref<1x128x64xf32, #tpu.memory_space<vmem>>
    %dma_wait3A_97 = tpu.memref_squeeze %dma_wait3A_96 : memref<1x128x64xf32, #tpu.memory_space<vmem>> -> memref<128x64xf32, #tpu.memory_space<vmem>>
    tpu.wait_dma2 semaphore(%arg8 : memref<!tpu.dma_semaphore, #tpu.memory_space<semaphore_mem>>) src(%dma_wait3A_97 : memref<128x64xf32, #tpu.memory_space<vmem>>) dst(%dma_wait3A_93 : memref<128x64xf32, #tpu.memory_space<hbm>>)
    %dma_wait3A_98 = arith.constant 0 : i32
    %dma_wait3A_99 = arith.constant 0 : i32
    %dma_wait3A_100 = arith.constant 0 : i32
    %dma_wait3A_101 = tpu.memref_slice %arg6[%dma_wait3A_98, %dma_wait3A_99, %dma_wait3A_100] : memref<12x128x64xf32, #tpu.memory_space<vmem>> -> memref<1x128x64xf32, #tpu.memory_space<vmem>>
    %dma_wait3A_102 = tpu.memref_squeeze %dma_wait3A_101 : memref<1x128x64xf32, #tpu.memory_space<vmem>> -> memref<128x64xf32, #tpu.memory_space<vmem>>
    %dma_wait3A_103 = arith.constant 0 : i32
    %dma_wait3A_104 = tpu.memref_slice %arg4[%mul3A_2, %dma_wait3A_103] : memref<425984x64xf32, #tpu.memory_space<hbm>> -> memref<128x64xf32, #tpu.memory_space<hbm>>
    %dma_wait3A_105 = arith.constant 0 : i32
    %dma_wait3A_106 = tpu.memref_slice %arg4[%mul3A_2, %dma_wait3A_105] : memref<425984x64xf32, #tpu.memory_space<hbm>> -> memref<128x64xf32, #tpu.memory_space<hbm>>
    %dma_wait3A_107 = arith.constant 0 : i32
    %dma_wait3A_108 = arith.constant 0 : i32
    %dma_wait3A_109 = tpu.memref_slice %arg6[%dma_wait3A_98, %dma_wait3A_107, %dma_wait3A_108] : memref<12x128x64xf32, #tpu.memory_space<vmem>> -> memref<1x128x64xf32, #tpu.memory_space<vmem>>
    %dma_wait3A_110 = tpu.memref_squeeze %dma_wait3A_109 : memref<1x128x64xf32, #tpu.memory_space<vmem>> -> memref<128x64xf32, #tpu.memory_space<vmem>>
    tpu.wait_dma2 semaphore(%arg8 : memref<!tpu.dma_semaphore, #tpu.memory_space<semaphore_mem>>) src(%dma_wait3A_110 : memref<128x64xf32, #tpu.memory_space<vmem>>) dst(%dma_wait3A_106 : memref<128x64xf32, #tpu.memory_space<hbm>>)
    %dma_wait3A_111 = arith.constant 0 : i32
    %dma_wait3A_112 = arith.constant 0 : i32
    %dma_wait3A_113 = arith.constant 0 : i32
    %dma_wait3A_114 = tpu.memref_slice %arg6[%dma_wait3A_111, %dma_wait3A_112, %dma_wait3A_113] : memref<12x128x64xf32, #tpu.memory_space<vmem>> -> memref<1x128x64xf32, #tpu.memory_space<vmem>>
    %dma_wait3A_115 = tpu.memref_squeeze %dma_wait3A_114 : memref<1x128x64xf32, #tpu.memory_space<vmem>> -> memref<128x64xf32, #tpu.memory_space<vmem>>
    %dma_wait3A_116 = arith.constant 0 : i32
    %dma_wait3A_117 = tpu.memref_slice %arg4[%mul3A_2, %dma_wait3A_116] : memref<425984x64xf32, #tpu.memory_space<hbm>> -> memref<128x64xf32, #tpu.memory_space<hbm>>
    %dma_wait3A_118 = arith.constant 0 : i32
    %dma_wait3A_119 = tpu.memref_slice %arg4[%mul3A_2, %dma_wait3A_118] : memref<425984x64xf32, #tpu.memory_space<hbm>> -> memref<128x64xf32, #tpu.memory_space<hbm>>
    %dma_wait3A_120 = arith.constant 0 : i32
    %dma_wait3A_121 = arith.constant 0 : i32
    %dma_wait3A_122 = tpu.memref_slice %arg6[%dma_wait3A_111, %dma_wait3A_120, %dma_wait3A_121] : memref<12x128x64xf32, #tpu.memory_space<vmem>> -> memref<1x128x64xf32, #tpu.memory_space<vmem>>
    %dma_wait3A_123 = tpu.memref_squeeze %dma_wait3A_122 : memref<1x128x64xf32, #tpu.memory_space<vmem>> -> memref<128x64xf32, #tpu.memory_space<vmem>>
    tpu.wait_dma2 semaphore(%arg8 : memref<!tpu.dma_semaphore, #tpu.memory_space<semaphore_mem>>) src(%dma_wait3A_123 : memref<128x64xf32, #tpu.memory_space<vmem>>) dst(%dma_wait3A_119 : memref<128x64xf32, #tpu.memory_space<hbm>>)
    %dma_wait3A_124 = arith.constant 0 : i32
    %dma_wait3A_125 = arith.constant 0 : i32
    %dma_wait3A_126 = arith.constant 0 : i32
    %dma_wait3A_127 = tpu.memref_slice %arg6[%dma_wait3A_124, %dma_wait3A_125, %dma_wait3A_126] : memref<12x128x64xf32, #tpu.memory_space<vmem>> -> memref<1x128x64xf32, #tpu.memory_space<vmem>>
    %dma_wait3A_128 = tpu.memref_squeeze %dma_wait3A_127 : memref<1x128x64xf32, #tpu.memory_space<vmem>> -> memref<128x64xf32, #tpu.memory_space<vmem>>
    %dma_wait3A_129 = arith.constant 0 : i32
    %dma_wait3A_130 = tpu.memref_slice %arg4[%mul3A_2, %dma_wait3A_129] : memref<425984x64xf32, #tpu.memory_space<hbm>> -> memref<128x64xf32, #tpu.memory_space<hbm>>
    %dma_wait3A_131 = arith.constant 0 : i32
    %dma_wait3A_132 = tpu.memref_slice %arg4[%mul3A_2, %dma_wait3A_131] : memref<425984x64xf32, #tpu.memory_space<hbm>> -> memref<128x64xf32, #tpu.memory_space<hbm>>
    %dma_wait3A_133 = arith.constant 0 : i32
    %dma_wait3A_134 = arith.constant 0 : i32
    %dma_wait3A_135 = tpu.memref_slice %arg6[%dma_wait3A_124, %dma_wait3A_133, %dma_wait3A_134] : memref<12x128x64xf32, #tpu.memory_space<vmem>> -> memref<1x128x64xf32, #tpu.memory_space<vmem>>
    %dma_wait3A_136 = tpu.memref_squeeze %dma_wait3A_135 : memref<1x128x64xf32, #tpu.memory_space<vmem>> -> memref<128x64xf32, #tpu.memory_space<vmem>>
    tpu.wait_dma2 semaphore(%arg8 : memref<!tpu.dma_semaphore, #tpu.memory_space<semaphore_mem>>) src(%dma_wait3A_136 : memref<128x64xf32, #tpu.memory_space<vmem>>) dst(%dma_wait3A_132 : memref<128x64xf32, #tpu.memory_space<hbm>>)
    %dma_wait3A_137 = arith.constant 0 : i32
    %dma_wait3A_138 = arith.constant 0 : i32
    %dma_wait3A_139 = arith.constant 0 : i32
    %dma_wait3A_140 = tpu.memref_slice %arg6[%dma_wait3A_137, %dma_wait3A_138, %dma_wait3A_139] : memref<12x128x64xf32, #tpu.memory_space<vmem>> -> memref<1x128x64xf32, #tpu.memory_space<vmem>>
    %dma_wait3A_141 = tpu.memref_squeeze %dma_wait3A_140 : memref<1x128x64xf32, #tpu.memory_space<vmem>> -> memref<128x64xf32, #tpu.memory_space<vmem>>
    %dma_wait3A_142 = arith.constant 0 : i32
    %dma_wait3A_143 = tpu.memref_slice %arg4[%mul3A_2, %dma_wait3A_142] : memref<425984x64xf32, #tpu.memory_space<hbm>> -> memref<128x64xf32, #tpu.memory_space<hbm>>
    %dma_wait3A_144 = arith.constant 0 : i32
    %dma_wait3A_145 = tpu.memref_slice %arg4[%mul3A_2, %dma_wait3A_144] : memref<425984x64xf32, #tpu.memory_space<hbm>> -> memref<128x64xf32, #tpu.memory_space<hbm>>
    %dma_wait3A_146 = arith.constant 0 : i32
    %dma_wait3A_147 = arith.constant 0 : i32
    %dma_wait3A_148 = tpu.memref_slice %arg6[%dma_wait3A_137, %dma_wait3A_146, %dma_wait3A_147] : memref<12x128x64xf32, #tpu.memory_space<vmem>> -> memref<1x128x64xf32, #tpu.memory_space<vmem>>
    %dma_wait3A_149 = tpu.memref_squeeze %dma_wait3A_148 : memref<1x128x64xf32, #tpu.memory_space<vmem>> -> memref<128x64xf32, #tpu.memory_space<vmem>>
    tpu.wait_dma2 semaphore(%arg8 : memref<!tpu.dma_semaphore, #tpu.memory_space<semaphore_mem>>) src(%dma_wait3A_149 : memref<128x64xf32, #tpu.memory_space<vmem>>) dst(%dma_wait3A_145 : memref<128x64xf32, #tpu.memory_space<hbm>>)
    return
  }
}

</mosaic_0001>

<sc_bundles>
// kernel: kernel.4.cloned.1.call-start
scs
__scs_entry_jumppad:
0x0: {  	(pc) =	sbr.rel $0x88, $3  }
0x1: {  	(tag) =	ssettag $0x0;
	lr =	simm.s32 $0x1  }
0x2: {  	[smem:$0x3F9F] =	sst lr;
	_ =	strace $0xD0000000  }
0x3: {  	_ = 	snop  }
0x4: {  	_ = 	snop  }
0x5: {  	_ = 	snop  }
0x6: {  	_ = 	snop  }
0x7: {  	_ = 	snop  }
__scs_overlays_trampoline_lowered:
0x8: {  	[smem:$0x3FAE] =	sst s0  }
0x9: {  	[smem:$0x3FAF] =	sst s1  }
0xa: {  	[smem:$0x3FB0] =	sst s2  }
0xb: {  	[smem:$0x3FB1] =	sst s3  }
0xc: {  	[smem:$0x3FB2] =	sst s4  }
0xd: {  	[smem:$0x3FB3] =	sst s5  }
0xe: {  	[smem:$0x3FB4] =	sst s6  }
0xf: {  	[smem:$0x3FB5] =	sst s7  }
0x10: {  	[smem:$0x3FB6] =	sst s8  }
0x11: {  	[smem:$0x3FB7] =	sst s9;
	s0 =	simm.s32 @!p0 $0x0  }
0x12: {  	s1 =	sld [smem:$0x3F9D];
	s0 =	simm.s32 @p0 $0x1  }
0x13: {  	[smem:$0x3FB8] =	sst s0;
	s0 =	simm.s32 @!p1 $0x0  }
0x14: {  	s2 =	sld [smem:$0x3F9C];
	s0 =	simm.s32 @p1 $0x1  }
0x15: {  	[smem:$0x3FB9] =	sst s0;
	s0 =	simm.s32 @!p2 $0x0  }
0x16: {  	s3 =	sld [smem:$0x3FDB];
	s0 =	simm.s32 @p2 $0x1  }
0x17: {  	s4 =	simm.s32 $0x1BF5;
	[smem:$0x3FBB] =	sst s0  }
0x18: {  	s0 =	sld [smem:$0x3F9E];
	_ =	swait.ge [sflag:s4], $0x0  }
0x19: {  	s7 =	sld [smem:$0x3F9F]  }
0x1a: {  	s8 =	sadd.s32 $0xFFFFE003, lr  }
0x1b: {  	s9 =	sadd.s32 $0xFFFFFEF7, lr;
	s5 =	simm.s32 $0xFFFFFFFF;
	p2 =	slt.u32 s8, $0xFFFFF086  }
0x1c: {  	p1 =	slt.u32 s9, $0xF7A;
	s5 =	simm.s32 @!p2 $0x0  }
0x1d: {  	s5 =	simm.s32 @p1 $0x1;
	p0 =	seq.s32 s7, s2  }
0x1e: {  	s7 =	smul.u32 @!p0 $0xF7A, s2;
	p2 =	seq.s32 @!p0 s5, $0x0  }
0x1f: {  	s9 =	smul.u32 $0xF7A, s1;
	s8 =	simm.s32 @!p0 $0x1BF5;
	p2 =	por !p2, p0  }
0x20: {  	[sflag:s8] =	ssyncset.s32 @!p0 $0xFFFFF086;
	s6 =	sadd.s32 @!p0 s3, s7;
	s7 =	simm.s32 @!p0 $0x108  }
0x21: {  	s3 =	sadd.s32 s3, s9;
	s6 =	sadd.s32 @!p0 $0x88, s6;
	s7 =	simm.s32 @p2 $0x1082  }
0x22: {  	[simem:s7], [sflag:s8] =	dma.local @!p0 [hbm:s6], $0xF7A  }
0x23: {  	s9 =	sor.u32 $0xD0000000, s2;
	s6 =	simm.s32 $0x108;
	_ =	swait.ge @!p0 [sflag:s8], $0x0  }
0x24: {  	s3 =	sadd.s32 $0x88, s3;
	s6 =	simm.s32 @!p1 $0x1082;
	[sflag:s4] =	ssyncset.s32 $0xFFFFF086  }
0x25: {  	[simem:s6], [sflag:s4] =	dma.local [hbm:s3], $0xF7A  }
0x26: {  	[smem:$0x3F9F] =	sst s1;
	(tag) =	ssettag s2;
	_ =	strace s9  }
0x27: {  	s1 =	sld [smem:$0x3FAF]  }
0x28: {  	s2 =	sld [smem:$0x3FB0]  }
0x29: {  	s4 =	sld [smem:$0x3FB2]  }
0x2a: {  	p0 =	seq.s32 s5, $0x0;
	s5 =	sld [smem:$0x3FB3]  }
0x2b: {  	s6 =	sld [smem:$0x3FB4]  }
0x2c: {  	s7 =	sld [smem:$0x3FB5]  }
0x2d: {  	s3 =	simm.s32 $0x108;
	s8 =	sld [smem:$0x3FB6]  }
0x2e: {  	s3 =	simm.s32 @!p0 $0x1082;
	s9 =	sld [smem:$0x3FB7]  }
0x2f: {  	lr =	sadd.s32 s0, s3;
	s0 =	sld [smem:$0x3FAE]  }
0x30: {  	s3 =	sld [smem:$0x3FB1]  }
0x31: {  	[smem:$0x3FBA] =	sst s10  }
0x32: {  	s10 =	sld [smem:$0x3FB8];
	_ =	sdelay $0x3  }
0x33: {  	p0 =	seq.s32 s10, $0x1;
	s10 =	sld [smem:$0x3FBA];
	_ =	sdelay $0x3  }
0x34: {  	[smem:$0x3FBA] =	sst s10  }
0x35: {  	s10 =	sld [smem:$0x3FB9];
	_ =	sdelay $0x3  }
0x36: {  	p1 =	seq.s32 s10, $0x1;
	s10 =	sld [smem:$0x3FBA];
	_ =	sdelay $0x3  }
0x37: {  	[smem:$0x3FBA] =	sst s10  }
0x38: {  	s10 =	sld [smem:$0x3FBB]  }
0x39: {  	_ = 	snop;
	(pc) =	sbr.ind lr, $3  }
0x3a: {  	_ = 	snop  }
0x3b: {  	_ = 	snop  }
0x3c: {  	p2 =	seq.s32 s10, $0x1;
	s10 =	sld [smem:$0x3FBA]  }
0x3d: {  	_ =	shalt  }
0x3e: {  	_ =	shalt  }
0x3f: {  	_ =	shalt  }
0x40: {  	_ =	shalt  }
0x41: {  	_ =	shalt  }
0x42: {  	_ =	shalt  }
0x43: {  	_ =	shalt  }
0x44: {  	_ =	shalt  }
0x45: {  	_ =	shalt  }
0x46: {  	_ =	shalt  }
0x47: {  	_ =	shalt  }
0x48: {  	_ =	shalt  }
0x49: {  	_ =	shalt  }
0x4a: {  	_ =	shalt  }
0x4b: {  	_ =	shalt  }
0x4c: {  	_ =	shalt  }
0x4d: {  	_ =	shalt  }
0x4e: {  	_ =	shalt  }
0x4f: {  	_ =	shalt  }
0x50: {  	_ =	shalt  }
0x51: {  	_ =	shalt  }
0x52: {  	_ =	shalt  }
0x53: {  	_ =	shalt  }
0x54: {  	_ =	shalt  }
0x55: {  	_ =	shalt  }
0x56: {  	_ =	shalt  }
0x57: {  	_ =	shalt  }
0x58: {  	_ =	shalt  }
0x59: {  	_ =	shalt  }
0x5a: {  	_ =	shalt  }
0x5b: {  	_ =	shalt  }
0x5c: {  	_ =	shalt  }
0x5d: {  	_ =	shalt  }
0x5e: {  	_ =	shalt  }
0x5f: {  	_ =	shalt  }
0x60: {  	_ =	shalt  }
0x61: {  	_ =	shalt  }
0x62: {  	_ =	shalt  }
0x63: {  	_ =	shalt  }
0x64: {  	_ =	shalt  }
0x65: {  	_ =	shalt  }
0x66: {  	_ =	shalt  }
0x67: {  	_ =	shalt  }
0x68: {  	_ =	shalt  }
0x69: {  	_ =	shalt  }
0x6a: {  	_ =	shalt  }
0x6b: {  	_ =	shalt  }
0x6c: {  	_ =	shalt  }
0x6d: {  	_ =	shalt  }
0x6e: {  	_ =	shalt  }
0x6f: {  	_ =	shalt  }
0x70: {  	_ =	shalt  }
0x71: {  	_ =	shalt  }
0x72: {  	_ =	shalt  }
0x73: {  	_ =	shalt  }
0x74: {  	_ =	shalt  }
0x75: {  	_ =	shalt  }
0x76: {  	_ =	shalt  }
0x77: {  	_ =	shalt  }
0x78: {  	_ =	shalt  }
0x79: {  	_ =	shalt  }
0x7a: {  	_ =	shalt  }
0x7b: {  	_ =	shalt  }
0x7c: {  	_ =	shalt  }
0x7d: {  	_ =	shalt  }
0x7e: {  	_ =	shalt  }
0x7f: {  	_ =	shalt  }
0x80: {  	_ =	shalt  }
0x81: {  	_ =	shalt  }
0x82: {  	_ =	shalt  }
0x83: {  	_ =	shalt  }
0x84: {  	_ =	shalt  }
0x85: {  	_ =	shalt  }
0x86: {  	_ =	shalt  }
0x87: {  	_ =	shalt  }
.Lfunc_end0:
.L_simem_size_0:
called_computation.1_lowered:
.L_overlay_start_0:
0x88: {  	s2 =	sld [smem:$0x3FD9]  }
0x89: {  	s3 =	sld [smem:$0x3FFE];
	_ =	sdelay $0x1  }
0x8a: {  	s1 =	srdreg.scid  }
0x8b: {  	s0 =	sand.u32 $0x1, s1  }
0x8c: {  	s17 =	sshll.u32 s0, $0xA;
	s2 =	sadd.s32 s3, s2  }
0x8d: {  	s2 =	sadd.s32 s2, s17  }
0x8e: {  	[smem:$0x3FC6] =	sst s2  }
0x8f: {  	_ = 	snop  }
0x90: {  	s2 =	sld [smem:$0x3FC9];
	(tm) =	ssettm $0x1  }
0x91: {  	s18 =	sld [smem:$0x3FFB];
	_ =	sdelay $0x3  }
0x92: {  	_ =	strace s18  }
0x93: {  	s3 =	sld [smem:$0x3FFC];
	_ =	sdelay $0x3  }
0x94: {  	_ =	strace s3  }
0x95: {  	s3 =	sld [smem:$0x3FFD];
	_ =	sdelay $0x3  }
0x96: {  	_ =	strace s3  }
0x97: {  	_ =	strace $0x8FFFFFFF  }
0x98: {  	s19 =	sld [smem:$0x3FDB];
	_ =	sdelay $0x1  }
0x99: {  	s4 =	simm.s32 $_scs_section_size  }
0x9a: {  	s5 =	simm.s32 $_size__tile_overlayer_lowered;
	s6 =	simm.s32 $_tile_overlayer_lowered  }
0x9b: {  	s22 =	simm.s32 $0x1BFF;
	s21 =	sshll.u32 s6, $0x1;
	s3 =	sadd.s32 s4, s19  }
0x9c: {  	s7 =	simm.s32 $0x0;
	s20 =	sshll.u32 s5, $0x1;
	s5 =	sadd.s32 s21, s3  }
0x9d: {  	[timem:s7], [sflag:s22] =	dma.local [hbm:s5], s20  }
0x9e: {  	_ =	swait.ge [sflag:s22], s20  }
0x9f: {  	s4 =	ssub.s32 $0x0, s20;
	[sflag:s22] =	ssyncset.done $0x0  }
0xa0: {  	[sflag:s22] =	ssyncadd.s32 s4;
	_ =	sdelay $0x1  }
0xa1: {  	s23 =	simm.s32 $0x1B8B  }
0xa2: {  	_ =	swait.ge [sflag:s23], $0x1  }
0xa3: {  	[sflag:s23] =	ssyncset.done $0x0  }
0xa4: {  	s25 =	simm.s32 $0x1B8E;
	s24 =	sld [smem:$0x3FFE];
	[sflag:s23] =	ssyncadd.s32 $0xFFFFFFFF  }
0xa5: {  	s26 =	simm.s32 $execute0_lowered;
	[smem:$0x3FD2] =	sst s25  }
0xa6: {  	s5 =	sshll.u32 s26, $0x1;
	_ =	strace $0x80000046;
	[dreg:$0x1] =	wrdreg $0xFFFFFFFF  }
0xa7: {  	s28 =	simm.s32 $_size_execute0_lowered;
	s3 =	sadd.s32 s3, s5;
	[dreg:$0x0] =	wrdreg $0x0  }
0xa8: {  	s5 =	sshll.u32 s28, $0x1;
	[dreg:$0x2] =	wrdreg s3  }
0xa9: {  	[dreg:$0x3] =	wrdreg s5  }
0xaa: {  	[dreg:$0x4] =	wrdreg $0xC0  }
0xab: {  	_ =	task [dreg:s7], $0x5FFFF  }
0xac: {  	[dreg:$0x1] =	wrdreg $0xFFFFFFFF  }
0xad: {  	[dreg:$0x0] =	wrdreg $0x60  }
0xae: {  	[dreg:$0x2] =	wrdreg s2  }
0xaf: {  	[dreg:$0x3] =	wrdreg s24  }
0xb0: {  	[dreg:$0x4] =	wrdreg $0x9  }
0xb1: {  	_ =	task.clear_ibuf [dreg:s7], $0x5FFFF;
	_ =	strace $0x90000046  }
0xb2: {  	s29 =	simm.s32 $0x9;
	_ =	strace $0x80000048  }
0xb3: {  	_ =	swait.ge [sflag:s29], $0x1  }
0xb4: {  	[sflag:s29] =	ssyncadd.s32 $0xFFFFFFFF  }
0xb5: {  	_ =	strace $0x90000048  }
0xb6: {  	_ =	sfence  }
0xb7: {  	s30 =	sld [smem:$0x0];
	_ =	sdelay $0x2  }
0xb8: {  	s31 =	sshll.u32 s1, $0xD;
	s1 =	sshrl.u32 s1, $0x2  }
0xb9: {  	s3 =	sand.u32 $0x4000, s31;
	s1 =	sadd.s32 s1, s30  }
0xba: {  	s0 =	sor.u32 s3, s0;
	s1 =	sshll.u32 s1, $0x11  }
0xbb: {  	s0 =	sor.u32 s1, s0  }
0xbc: {  	s0 =	sadd.s32 $0x8F2B, s0  }
0xbd: {  	[sflag:s0] =	ssyncadd.remote.s32 $0x1  }
0xbe: {  	_ =	sfence.sel $0xFFFF  }
0xbf: {  	[dreg:$0x0] =	wrdreg $0xFFFFFFFF;
	(pc) =	sbr.abs _section_cstart, $3  }
0xc0: {  	[dreg:$0x1] =	wrdreg $0xFFFFFFFF  }
0xc1: {  	_ =	task.clear_ibuf [dreg:s7], $0x2FFFF;
	_ =	strace $0x9FFFFFFF  }
0xc2: {  	(tm) =	ssettm $0x7FFFFFFF  }
0xc3: {  	_ =	shalt  }
tec
execute0_lowered:
.L_overlay_start_1:
0x0: {  	(tag) =	ssettag $0x1  }
0x1: {  	s0 =	stileid.u32  }
0x2: {  	s6 =	smul.u32 $0xD0, s0  }
0x3: {  	s1 =	srdreg.scid;
	s9 =	smul.u32 $0x6800, s0  }
0x4: {  	s2 =	rddreg [dreg:$0x0];
	s4 =	sand.u32 $0x1, s1;
	s12 =	smul.u32 $0x34000, s0  }
0x5: {  	s7 =	rddreg [dreg:$0x1];
	s3 =	simm.s32 $0x0;
	s8 =	smul.u32 $0x68, s4  }
0x6: {  	s29 =	sshll.u32 s0, $0x1;
	[smem:$0x7FF] =	sst s3;
	s11 =	smul.u32 $0x3400, s4  }
0x7: {  	s1 =	sor.u32 s4, s29;
	s10 =	ssub.s32 $0x2, s4;
	s31 =	smul.u32 $0x1A000, s4  }
0x8: {  	s5 =	smul.u32 $0x680, s1;
	s1 =	rddreg [dreg:$0x2];
	s30 =	sshrl.u32 s10, $0x1  }
0x9: {  	_ =	strace $0x80000047;
	s6 =	sadd.s32 s8, s6;
	s8 =	sadd.s32 s31, s12  }
0xa: {  	s5 =	sadd.s32 s5, s7;
	s7 =	ssub.s32 s10, s30;
	s6 =	sor.u32 $0x7, s6  }
0xb: {  	s10 =	simm.s32 $0x2;
	s4 =	sadd.s32 $0xC00, s5;
	s5 =	smax.u32 s7, $0x1  }
0xc: {  	s7 =	sadd.s32 s11, s9;
	s9 =	simm.s32 $0x1;
	s11 =	simm.s32 $0x0  }
.LBB2_1:
0xd: {  	s13 =	sand.u32 $0x1E000, s8;
	s14 =	sadd.s32 $0x400, s8  }
0xe: {  	s15 =	sadd.s32 $0x100, s7;
	s12 =	sadd.s32 $0xFFFFFFF9, s6;
	s16 =	sadd.s32 $0xFFFFFFFB, s6  }
0xf: {  	s17 =	sadd.s32 $0x300, s7;
	s19 =	sadd.s32 $0xFFFFFFFA, s6;
	s20 =	sadd.s32 $0x80, s7  }
0x10: {  	s21 =	sadd.s32 $0x800, s8;
	s22 =	sand.u32 $0x7FFE0000, s7;
	s24 =	sadd.s32 $0x280, s7  }
0x11: {  	s25 =	sadd.s32 $0xFFFFFFFC, s6;
	s26 =	sadd.s32 $0xC00, s8;
	s28 =	sadd.s32 $0x180, s7  }
0x12: {  	s29 =	sadd.s32 $0x1000, s8;
	s30 =	sadd.s32 $0xFFFFFFFD, s6;
	s31 =	sadd.s32 $0x200, s7  }
0x13: {  	s23 =	simm.s32 $0x80;
	s18 =	sand.u32 $0x380, s12;
	s12 =	sand.u32 $0x7FFE0000, s17  }
0x14: {  	s17 =	simm.s32 $0x0;
	s20 =	sand.u32 $0x7FFE0000, s20;
	s21 =	sand.u32 $0x1E800, s21  }
0x15: {  	s16 =	sand.u32 $0x380, s16;
	s15 =	sand.u32 $0x7FFE0000, s15;
	s14 =	sand.u32 $0x1E400, s14  }
0x16: {  	s19 =	sand.u32 $0x380, s19;
	s13 =	sor.u32 s18, s13;
	s18 =	sand.u32 $0x7FFE0000, s24  }
0x17: {  	s16 =	sor.u32 s16, s21;
	s21 =	sand.u32 $0x1EC00, s26;
	s14 =	sor.u32 s19, s14  }
0x18: {  	s19 =	sand.u32 $0x380, s30;
	s26 =	sadd.s32 $0xFFFFFFFE, s6;
	s24 =	sand.u32 $0x380, s6  }
0x19: {  	s30 =	sadd.s32 $0x1C00, s8;
	s13 =	sor.u32 s22, s13;
	s15 =	sor.u32 s15, s16  }
0x1a: {  	s16 =	sand.u32 $0x380, s25;
	s22 =	sand.u32 $0x7FFE0000, s28;
	s14 =	sor.u32 s20, s14  }
0x1b: {  	s25 =	sadd.s32 $0x1400, s8;
	s20 =	sand.u32 $0x7FFE0000, s31;
	s31 =	sadd.s32 $0xFFFFFFFF, s6  }
0x1c: {  	s13 =	sshrl.u32 s13, $0x3;
	s16 =	sor.u32 s16, s21;
	s15 =	sshrl.u32 s15, $0x3  }
0x1d: {  	s14 =	sshrl.u32 s14, $0x3;
	s21 =	sand.u32 $0x1F000, s29;
	s25 =	sand.u32 $0x1F400, s25  }
0x1e: {  	s29 =	sadd.s32 $0x380, s7;
	s16 =	sor.u32 s22, s16;
	s22 =	simm.s32 $0x100  }
0x1f: {  	s19 =	sor.u32 s19, s21;
	s21 =	sand.u32 $0x380, s26;
	s14 =	sadd.s32 s2, s14  }
0x20: {  	s15 =	sadd.s32 s2, s15;
	s26 =	sadd.s32 $0x1800, s8;
	s13 =	sadd.s32 s2, s13  }
0x21: {  	s16 =	sshrl.u32 s16, $0x3;
	s19 =	sor.u32 s20, s19;
	s28 =	sor.u32 s21, s25  }
0x22: {  	s20 =	sand.u32 $0x1FC00, s30;
	s26 =	sand.u32 $0x1F800, s26;
	s25 =	sand.u32 $0x380, s31  }
0x23: {  	[tilespmem:s17], [sflag:$0x1] =	stream.linear.gather [hbm4b:s13+s3], $0x80, $0x38;
	[tilespmem:$0x3400] =	vst v63  }
0x24: {  	s21 =	sand.u32 $0x7FFE0000, s29;
	s29 =	simm.s32 $0x200;
	s30 =	simm.s32 $0x280  }
0x25: {  	s13 =	sadd.s32 $0x400, s7;
	s19 =	sshrl.u32 s19, $0x3;
	s18 =	sor.u32 s18, s28  }
0x26: {  	s17 =	sor.u32 s25, s26;
	s20 =	sor.u32 s24, s20;
	s16 =	sadd.s32 s2, s16  }
0x27: {  	[tilespmem:s23], [sflag:$0x1] =	stream.linear.gather [hbm4b:s14+s3], $0x80, $0x38;
	[tilespmem:$0x3400] =	vst v63  }
0x28: {  	s25 =	simm.s32 $0x180;
	s19 =	sadd.s32 s2, s19;
	s23 =	sshrl.u32 s18, $0x3  }
0x29: {  	s12 =	sor.u32 s12, s17;
	s24 =	sor.u32 s21, s20;
	s20 =	simm.s32 $0x380  }
0x2a: {  	[tilespmem:s22], [sflag:$0x1] =	stream.linear.gather [hbm4b:s15+s3], $0x80, $0x38;
	[tilespmem:$0x3400] =	vst v63  }
0x2b: {  	s14 =	sadd.s32 $0x8, s6;
	s26 =	sshrl.u32 s12, $0x3;
	s28 =	sshrl.u32 s24, $0x3  }
0x2c: {  	[tilespmem:s25], [sflag:$0x1] =	stream.linear.gather [hbm4b:s16+s3], $0x80, $0x38;
	[tilespmem:$0x3400] =	vst v63  }
0x2d: {  	s31 =	sadd.s32 s2, s23;
	s12 =	sadd.s32 $0x2000, s8;
	s15 =	simm.s32 $0x1000  }
0x2e: {  	[tilespmem:s29], [sflag:$0x1] =	stream.linear.gather [hbm4b:s19+s3], $0x80, $0x38;
	[tilespmem:$0x3400] =	vst v63  }
0x2f: {  	s17 =	sadd.s32 s2, s26;
	s21 =	sadd.s32 s2, s28;
	s16 =	simm.s32 $0x300  }
0x30: {  	[tilespmem:s30], [sflag:$0x1] =	stream.linear.gather [hbm4b:s31+s3], $0x80, $0x38;
	[tilespmem:$0x3400] =	vst v63  }
.LBB2_2:
0x31: {  	[tilespmem:s16], [sflag:$0x1] =	stream.linear.gather [hbm4b:s17+s3], $0x80, $0x38;
	[tilespmem:$0x3400] =	vst v63  }
0x32: {  	s16 =	smov.u32 s15  }
0x33: {  	s18 =	sand.u32 $0x1E000, s12;
	s22 =	sadd.s32 $0x400, s12;
	s23 =	sadd.s32 $0x100, s13  }
0x34: {  	s24 =	sadd.s32 $0xFFFFFFFB, s14;
	s17 =	sadd.s32 $0x300, s13;
	s16 =	sadd.s32 $0xFFFFFFF9, s14  }
0x35: {  	s25 =	sadd.s32 $0xFFFFFFFA, s14;
	s17 =	sand.u32 $0x7FFE0000, s17;
	s19 =	sand.u32 $0x380, s16  }
0x36: {  	s26 =	sadd.s32 $0x80, s13;
	s28 =	sadd.s32 $0x800, s12;
	s16 =	sshra.s32 s15, $0x2  }
0x37: {  	s29 =	sand.u32 $0x7FFE0000, s13;
	s18 =	sor.u32 s19, s18;
	s19 =	sadd.s32 $0x280, s13  }
0x38: {  	s26 =	sand.u32 $0x7FFE0000, s26;
	s18 =	sor.u32 s29, s18;
	s19 =	sand.u32 $0x7FFE0000, s19  }
0x39: {  	s22 =	sand.u32 $0x1E400, s22;
	s25 =	sand.u32 $0x380, s25;
	s18 =	sshrl.u32 s18, $0x3  }
0x3a: {  	[tilespmem:s20], [sflag:$0x1] =	stream.linear.gather [hbm4b:s21+s3], $0x80, $0x38;
	[tilespmem:$0x3400] =	vst v63  }
0x3b: {  	s20 =	sand.u32 $0x1E800, s28;
	s21 =	sand.u32 $0x380, s24;
	_ =	swait.ge [sflag:s9], $0x80  }
0x3c: {  	s23 =	sand.u32 $0x7FFE0000, s23;
	s20 =	sor.u32 s21, s20;
	[sflag:s9] =	ssyncset.done $0x0  }
0x3d: {  	s21 =	sadd.s32 $0xFFFFFFFC, s14;
	s20 =	sor.u32 s23, s20;
	[sflag:s9] =	ssyncadd.s32 $0xFFFFFF80  }
0x3e: {  	s23 =	sadd.s32 $0xC00, s12;
	s21 =	sand.u32 $0x380, s21;
	_ =	swait.ge [sflag:s9], $0x80  }
0x3f: {  	s24 =	sadd.s32 $0x180, s13;
	s23 =	sand.u32 $0x1EC00, s23;
	[sflag:s9] =	ssyncset.done $0x0  }
0x40: {  	s24 =	sand.u32 $0x7FFE0000, s24;
	s21 =	sor.u32 s21, s23;
	[sflag:s9] =	ssyncadd.s32 $0xFFFFFF80  }
0x41: {  	s28 =	sadd.s32 $0x1000, s12;
	s23 =	sshrl.u32 s20, $0x3;
	_ =	swait.ge [sflag:s9], $0x80  }
0x42: {  	s20 =	sor.u32 s25, s22;
	s21 =	sor.u32 s24, s21;
	[sflag:s9] =	ssyncset.done $0x0  }
0x43: {  	s22 =	sadd.s32 $0xFFFFFFFD, s14;
	s20 =	sor.u32 s26, s20;
	[sflag:s9] =	ssyncadd.s32 $0xFFFFFF80  }
0x44: {  	s24 =	sadd.s32 $0x200, s13;
	s22 =	sand.u32 $0x380, s22;
	_ =	swait.ge [sflag:s9], $0x80  }
0x45: {  	s25 =	sshrl.u32 s20, $0x3;
	s20 =	sshrl.u32 s21, $0x3;
	[sflag:s9] =	ssyncset.done $0x0  }
0x46: {  	s26 =	sand.u32 $0x1F000, s28;
	s21 =	sadd.s32 $0x100, s16;
	[sflag:s9] =	ssyncadd.s32 $0xFFFFFF80  }
0x47: {  	s22 =	sor.u32 s22, s26;
	s26 =	sadd.s32 $0xFFFFFFFE, s14;
	_ =	swait.ge [sflag:s9], $0x80  }
0x48: {  	s29 =	sand.u32 $0x380, s14;
	s28 =	sadd.s32 $0x80, s16;
	[sflag:s9] =	ssyncset.done $0x0  }
0x49: {  	s30 =	sadd.s32 $0x1400, s12;
	s24 =	sand.u32 $0x7FFE0000, s24;
	[sflag:s9] =	ssyncadd.s32 $0xFFFFFF80  }
0x4a: {  	s30 =	sand.u32 $0x1F400, s30;
	s26 =	sand.u32 $0x380, s26;
	_ =	swait.ge [sflag:s9], $0x80  }
0x4b: {  	s25 =	sadd.s32 s2, s25;
	s22 =	sor.u32 s24, s22;
	[sflag:s9] =	ssyncset.done $0x0  }
0x4c: {  	s23 =	sadd.s32 s2, s23;
	s24 =	sor.u32 s26, s30;
	[sflag:s9] =	ssyncadd.s32 $0xFFFFFF80  }
0x4d: {  	s22 =	sshrl.u32 s22, $0x3;
	s26 =	sadd.s32 $0x380, s13;
	_ =	swait.ge [sflag:s9], $0x80  }
0x4e: {  	s22 =	sadd.s32 s2, s22;
	s19 =	sor.u32 s19, s24;
	[sflag:s9] =	ssyncset.done $0x0  }
0x4f: {  	s24 =	sadd.s32 $0x1C00, s12;
	s19 =	sshrl.u32 s19, $0x3;
	[sflag:s9] =	ssyncadd.s32 $0xFFFFFF80  }
0x50: {  	s31 =	sadd.s32 $0x1800, s12;
	s30 =	sadd.s32 $0xFFFFFFFF, s14;
	_ =	swait.ge [sflag:s9], $0x80  }
0x51: {  	s18 =	sadd.s32 s2, s18;
	s24 =	sand.u32 $0x1FC00, s24;
	[sflag:s9] =	ssyncset.done $0x0  }
0x52: {  	s31 =	sand.u32 $0x1F800, s31;
	s30 =	sand.u32 $0x380, s30;
	[sflag:s9] =	ssyncadd.s32 $0xFFFFFF80  }
0x53: {  	s26 =	sand.u32 $0x7FFE0000, s26;
	s30 =	sor.u32 s30, s31;
	s24 =	sor.u32 s29, s24  }
0x54: {  	[tilespmem:s16], [sflag:$0x1] =	stream.linear.gather [hbm4b:s18+s3], $0x80, $0x38;
	[tilespmem:$0x3400] =	vst v63  }
0x55: {  	s17 =	sor.u32 s17, s30;
	s18 =	sor.u32 s26, s24;
	s24 =	sadd.s32 $0x1000, s15  }
0x56: {  	p0 =	sne.s32 s15, $0xC000;
	s17 =	sshrl.u32 s17, $0x3;
	s18 =	sshrl.u32 s18, $0x3  }
0x57: {  	[tilespmem:s28], [sflag:$0x1] =	stream.linear.gather [hbm4b:s25+s3], $0x80, $0x38;
	[tilespmem:$0x3400] =	vst v63  }
0x58: {  	s13 =	sadd.s32 $0x400, s13;
	s15 =	sadd.s32 s2, s20  }
0x59: {  	[tilespmem:s21], [sflag:$0x1] =	stream.linear.gather [hbm4b:s23+s3], $0x80, $0x38;
	[tilespmem:$0x3400] =	vst v63  }
0x5a: {  	s12 =	sadd.s32 $0x2000, s12;
	s20 =	sadd.s32 $0x380, s16;
	s21 =	sadd.s32 $0x180, s16  }
0x5b: {  	[tilespmem:s21], [sflag:$0x1] =	stream.linear.gather [hbm4b:s15+s3], $0x80, $0x38;
	[tilespmem:$0x3400] =	vst v63  }
.Ltmp0:
0x5c: {  	s14 =	sadd.s32 $0x8, s14;
	s15 =	sadd.s32 $0x200, s16;
	(pc) =	sbr.rel @p0 .LBB2_2-.Ltmp0, $4  }
0x5d: {  	[tilespmem:s15], [sflag:$0x1] =	stream.linear.gather [hbm4b:s22+s3], $0x80, $0x38;
	[tilespmem:$0x3400] =	vst v63  }
0x5e: {  	s19 =	sadd.s32 s2, s19;
	s17 =	sadd.s32 s2, s17;
	s15 =	sadd.s32 $0x280, s16  }
0x5f: {  	[tilespmem:s15], [sflag:$0x1] =	stream.linear.gather [hbm4b:s19+s3], $0x80, $0x38;
	[tilespmem:$0x3400] =	vst v63  }
0x60: {  	s21 =	sadd.s32 s2, s18;
	s16 =	sadd.s32 $0x300, s16;
	s15 =	smov.u32 s24  }
0x61: {  	[tilespmem:s16], [sflag:$0x1] =	stream.linear.gather [hbm4b:s17+s3], $0x80, $0x38;
	[tilespmem:$0x3400] =	vst v63  }
0x62: {  	_ = 	snop  }
0x63: {  	[tilespmem:s20], [sflag:$0x1] =	stream.linear.gather [hbm4b:s21+s3], $0x80, $0x38;
	[tilespmem:$0x3400] =	vst v63  }
0x64: {  	_ =	swait.ge [sflag:s9], $0x80  }
0x65: {  	[sflag:s9] =	ssyncset.done $0x0  }
0x66: {  	[sflag:s9] =	ssyncadd.s32 $0xFFFFFF80  }
0x67: {  	_ =	swait.ge [sflag:s9], $0x80  }
0x68: {  	[sflag:s9] =	ssyncset.done $0x0  }
0x69: {  	[sflag:s9] =	ssyncadd.s32 $0xFFFFFF80  }
0x6a: {  	_ =	swait.ge [sflag:s9], $0x80  }
0x6b: {  	[sflag:s9] =	ssyncset.done $0x0  }
0x6c: {  	[sflag:s9] =	ssyncadd.s32 $0xFFFFFF80  }
0x6d: {  	_ =	swait.ge [sflag:s9], $0x80  }
0x6e: {  	[sflag:s9] =	ssyncset.done $0x0  }
0x6f: {  	[sflag:s9] =	ssyncadd.s32 $0xFFFFFF80  }
0x70: {  	_ =	swait.ge [sflag:s9], $0x80  }
0x71: {  	[sflag:s9] =	ssyncset.done $0x0  }
0x72: {  	[sflag:s9] =	ssyncadd.s32 $0xFFFFFF80  }
0x73: {  	_ =	swait.ge [sflag:s9], $0x80  }
0x74: {  	[sflag:s9] =	ssyncset.done $0x0  }
0x75: {  	[sflag:s9] =	ssyncadd.s32 $0xFFFFFF80  }
0x76: {  	_ =	swait.ge [sflag:s9], $0x80  }
0x77: {  	[sflag:s9] =	ssyncset.done $0x0  }
0x78: {  	[sflag:s9] =	ssyncadd.s32 $0xFFFFFF80  }
0x79: {  	s11 =	sadd.s32 $0x1, s11;
	_ =	swait.ge [sflag:s9], $0x80  }
0x7a: {  	p0 =	sne.s32 s11, s5;
	[sflag:s9] =	ssyncset.done $0x0  }
.Ltmp1:
0x7b: {  	[sflag:s9] =	ssyncadd.s32 $0xFFFFFF80;
	(pc) =	sbr.rel @p0 .LBB2_1-.Ltmp1, $4  }
0x7c: {  	[hbm4b:s4+s3] =	stream.linear.scatter [tilespmem:s3], [sflag:$0x2], $0x3400, $0x38;
	[tilespmem:$0x3400] =	vst v63  }
0x7d: {  	_ =	swait.ge [sflag:s10], $0x3400  }
0x7e: {  	[sflag:s10] =	ssyncset.done $0x0  }
0x7f: {  	[sflag:s10] =	ssyncadd.s32 $0xFFFFCC00  }
0x80: {  	_ =	sfence.sel $0x180000  }
0x81: {  	[bflag:$0x0] =	sbarrier.arrive $0xFFFF  }
0x82: {  	p0 =	sne.s32 s0, $0x0;
	_ =	strace $0x90000047  }
0x83: {  	s0 =	sadd.s32 @!p0 $0x100000, s1;
	[bflag:$0x2] =	sbarrier.arrive $0xFFFF  }
0x84: {  	[sflag:s0] =	ssyncadd.tile.s32 @!p0 $0x1;
	_ =	shalt  }
.Lfunc_end2:
_tile_overlayer_lowered:
.L_overlay_start_2:
0x85: {  	(tag) =	ssettag $0x2  }
0x86: {  	s0 =	rddreg [dreg:$0x0];
	s2 =	stileid.u32  }
0x87: {  	s1 =	rddreg [dreg:$0x1];
	p0 =	sne.s32 s2, $0x0  }
0x88: {  	s3 =	rddreg [dreg:$0x2];
	[bflag:$0x3] =	sbarrier.arrive $0xFFFF;
	s2 =	simm.s32 @!p0 $0x1C02  }
0x89: {  	[timem:s3], [sflag:s2] =	dma.local @!p0 [hbm:s0], s1  }
0x8a: {  	s0 =	simm.s32 @!p0 $0x2  }
0x8b: {  	_ =	swait.ge @!p0 [sflag:s0], s1  }
0x8c: {  	s1 =	ssub.s32 @!p0 $0x0, s1;
	[sflag:s0] =	ssyncset.done @!p0 $0x0  }
0x8d: {  	[sflag:s0] =	ssyncadd.s32 @!p0 s1  }
0x8e: {  	[bflag:$0x3] =	sbarrier.arrive $0xFFFF  }
0x8f: {  	_ =	shalt  }

// kernel: kernel.7.cloned.1.call-start
scs
__scs_entry_jumppad:
0x0: {  	(pc) =	sbr.rel $0x88, $3  }
0x1: {  	(tag) =	ssettag $0x0;
	lr =	simm.s32 $0x1  }
0x2: {  	[smem:$0x3F9F] =	sst lr;
	_ =	strace $0xD0000000  }
0x3: {  	_ = 	snop  }
0x4: {  	_ = 	snop  }
0x5: {  	_ = 	snop  }
0x6: {  	_ = 	snop  }
0x7: {  	_ = 	snop  }
__scs_overlays_trampoline_lowered:
0x8: {  	[smem:$0x3FAE] =	sst s0  }
0x9: {  	[smem:$0x3FAF] =	sst s1  }
0xa: {  	[smem:$0x3FB0] =	sst s2  }
0xb: {  	[smem:$0x3FB1] =	sst s3  }
0xc: {  	[smem:$0x3FB2] =	sst s4  }
0xd: {  	[smem:$0x3FB3] =	sst s5  }
0xe: {  	[smem:$0x3FB4] =	sst s6  }
0xf: {  	[smem:$0x3FB5] =	sst s7  }
0x10: {  	[smem:$0x3FB6] =	sst s8  }
0x11: {  	[smem:$0x3FB7] =	sst s9;
	s0 =	simm.s32 @!p0 $0x0  }
0x12: {  	s1 =	sld [smem:$0x3F9D];
	s0 =	simm.s32 @p0 $0x1  }
0x13: {  	[smem:$0x3FB8] =	sst s0;
	s0 =	simm.s32 @!p1 $0x0  }
0x14: {  	s2 =	sld [smem:$0x3F9C];
	s0 =	simm.s32 @p1 $0x1  }
0x15: {  	[smem:$0x3FB9] =	sst s0;
	s0 =	simm.s32 @!p2 $0x0  }
0x16: {  	s3 =	sld [smem:$0x3FDB];
	s0 =	simm.s32 @p2 $0x1  }
0x17: {  	s4 =	simm.s32 $0x1BF5;
	[smem:$0x3FBB] =	sst s0  }
0x18: {  	s0 =	sld [smem:$0x3F9E];
	_ =	swait.ge [sflag:s4], $0x0  }
0x19: {  	s7 =	sld [smem:$0x3F9F]  }
0x1a: {  	s8 =	sadd.s32 $0xFFFFE003, lr  }
0x1b: {  	s9 =	sadd.s32 $0xFFFFFEF7, lr;
	s5 =	simm.s32 $0xFFFFFFFF;
	p2 =	slt.u32 s8, $0xFFFFF086  }
0x1c: {  	p1 =	slt.u32 s9, $0xF7A;
	s5 =	simm.s32 @!p2 $0x0  }
0x1d: {  	s5 =	simm.s32 @p1 $0x1;
	p0 =	seq.s32 s7, s2  }
0x1e: {  	s7 =	smul.u32 @!p0 $0xF7A, s2;
	p2 =	seq.s32 @!p0 s5, $0x0  }
0x1f: {  	s9 =	smul.u32 $0xF7A, s1;
	s8 =	simm.s32 @!p0 $0x1BF5;
	p2 =	por !p2, p0  }
0x20: {  	[sflag:s8] =	ssyncset.s32 @!p0 $0xFFFFF086;
	s6 =	sadd.s32 @!p0 s3, s7;
	s7 =	simm.s32 @!p0 $0x108  }
0x21: {  	s3 =	sadd.s32 s3, s9;
	s6 =	sadd.s32 @!p0 $0x88, s6;
	s7 =	simm.s32 @p2 $0x1082  }
0x22: {  	[simem:s7], [sflag:s8] =	dma.local @!p0 [hbm:s6], $0xF7A  }
0x23: {  	s9 =	sor.u32 $0xD0000000, s2;
	s6 =	simm.s32 $0x108;
	_ =	swait.ge @!p0 [sflag:s8], $0x0  }
0x24: {  	s3 =	sadd.s32 $0x88, s3;
	s6 =	simm.s32 @!p1 $0x1082;
	[sflag:s4] =	ssyncset.s32 $0xFFFFF086  }
0x25: {  	[simem:s6], [sflag:s4] =	dma.local [hbm:s3], $0xF7A  }
0x26: {  	[smem:$0x3F9F] =	sst s1;
	(tag) =	ssettag s2;
	_ =	strace s9  }
0x27: {  	s1 =	sld [smem:$0x3FAF]  }
0x28: {  	s2 =	sld [smem:$0x3FB0]  }
0x29: {  	s4 =	sld [smem:$0x3FB2]  }
0x2a: {  	p0 =	seq.s32 s5, $0x0;
	s5 =	sld [smem:$0x3FB3]  }
0x2b: {  	s6 =	sld [smem:$0x3FB4]  }
0x2c: {  	s7 =	sld [smem:$0x3FB5]  }
0x2d: {  	s3 =	simm.s32 $0x108;
	s8 =	sld [smem:$0x3FB6]  }
0x2e: {  	s3 =	simm.s32 @!p0 $0x1082;
	s9 =	sld [smem:$0x3FB7]  }
0x2f: {  	lr =	sadd.s32 s0, s3;
	s0 =	sld [smem:$0x3FAE]  }
0x30: {  	s3 =	sld [smem:$0x3FB1]  }
0x31: {  	[smem:$0x3FBA] =	sst s10  }
0x32: {  	s10 =	sld [smem:$0x3FB8];
	_ =	sdelay $0x3  }
0x33: {  	p0 =	seq.s32 s10, $0x1;
	s10 =	sld [smem:$0x3FBA];
	_ =	sdelay $0x3  }
0x34: {  	[smem:$0x3FBA] =	sst s10  }
0x35: {  	s10 =	sld [smem:$0x3FB9];
	_ =	sdelay $0x3  }
0x36: {  	p1 =	seq.s32 s10, $0x1;
	s10 =	sld [smem:$0x3FBA];
	_ =	sdelay $0x3  }
0x37: {  	[smem:$0x3FBA] =	sst s10  }
0x38: {  	s10 =	sld [smem:$0x3FBB]  }
0x39: {  	_ = 	snop;
	(pc) =	sbr.ind lr, $3  }
0x3a: {  	_ = 	snop  }
0x3b: {  	_ = 	snop  }
0x3c: {  	p2 =	seq.s32 s10, $0x1;
	s10 =	sld [smem:$0x3FBA]  }
0x3d: {  	_ =	shalt  }
0x3e: {  	_ =	shalt  }
0x3f: {  	_ =	shalt  }
0x40: {  	_ =	shalt  }
0x41: {  	_ =	shalt  }
0x42: {  	_ =	shalt  }
0x43: {  	_ =	shalt  }
0x44: {  	_ =	shalt  }
0x45: {  	_ =	shalt  }
0x46: {  	_ =	shalt  }
0x47: {  	_ =	shalt  }
0x48: {  	_ =	shalt  }
0x49: {  	_ =	shalt  }
0x4a: {  	_ =	shalt  }
0x4b: {  	_ =	shalt  }
0x4c: {  	_ =	shalt  }
0x4d: {  	_ =	shalt  }
0x4e: {  	_ =	shalt  }
0x4f: {  	_ =	shalt  }
0x50: {  	_ =	shalt  }
0x51: {  	_ =	shalt  }
0x52: {  	_ =	shalt  }
0x53: {  	_ =	shalt  }
0x54: {  	_ =	shalt  }
0x55: {  	_ =	shalt  }
0x56: {  	_ =	shalt  }
0x57: {  	_ =	shalt  }
0x58: {  	_ =	shalt  }
0x59: {  	_ =	shalt  }
0x5a: {  	_ =	shalt  }
0x5b: {  	_ =	shalt  }
0x5c: {  	_ =	shalt  }
0x5d: {  	_ =	shalt  }
0x5e: {  	_ =	shalt  }
0x5f: {  	_ =	shalt  }
0x60: {  	_ =	shalt  }
0x61: {  	_ =	shalt  }
0x62: {  	_ =	shalt  }
0x63: {  	_ =	shalt  }
0x64: {  	_ =	shalt  }
0x65: {  	_ =	shalt  }
0x66: {  	_ =	shalt  }
0x67: {  	_ =	shalt  }
0x68: {  	_ =	shalt  }
0x69: {  	_ =	shalt  }
0x6a: {  	_ =	shalt  }
0x6b: {  	_ =	shalt  }
0x6c: {  	_ =	shalt  }
0x6d: {  	_ =	shalt  }
0x6e: {  	_ =	shalt  }
0x6f: {  	_ =	shalt  }
0x70: {  	_ =	shalt  }
0x71: {  	_ =	shalt  }
0x72: {  	_ =	shalt  }
0x73: {  	_ =	shalt  }
0x74: {  	_ =	shalt  }
0x75: {  	_ =	shalt  }
0x76: {  	_ =	shalt  }
0x77: {  	_ =	shalt  }
0x78: {  	_ =	shalt  }
0x79: {  	_ =	shalt  }
0x7a: {  	_ =	shalt  }
0x7b: {  	_ =	shalt  }
0x7c: {  	_ =	shalt  }
0x7d: {  	_ =	shalt  }
0x7e: {  	_ =	shalt  }
0x7f: {  	_ =	shalt  }
0x80: {  	_ =	shalt  }
0x81: {  	_ =	shalt  }
0x82: {  	_ =	shalt  }
0x83: {  	_ =	shalt  }
0x84: {  	_ =	shalt  }
0x85: {  	_ =	shalt  }
0x86: {  	_ =	shalt  }
0x87: {  	_ =	shalt  }
.Lfunc_end0:
.L_simem_size_0:
called_computation.2_lowered:
.L_overlay_start_0:
0x88: {  	s2 =	sld [smem:$0x3FD9]  }
0x89: {  	s3 =	sld [smem:$0x3FFE];
	_ =	sdelay $0x1  }
0x8a: {  	s1 =	srdreg.scid  }
0x8b: {  	s0 =	sand.u32 $0x1, s1  }
0x8c: {  	s17 =	sshll.u32 s0, $0xA;
	s2 =	sadd.s32 s3, s2  }
0x8d: {  	s2 =	sadd.s32 s2, s17  }
0x8e: {  	[smem:$0x3FC6] =	sst s2  }
0x8f: {  	_ = 	snop  }
0x90: {  	s2 =	sld [smem:$0x3FD0];
	(tm) =	ssettm $0x1  }
0x91: {  	s18 =	sld [smem:$0x3FFB];
	_ =	sdelay $0x3  }
0x92: {  	_ =	strace s18  }
0x93: {  	s3 =	sld [smem:$0x3FFC];
	_ =	sdelay $0x3  }
0x94: {  	_ =	strace s3  }
0x95: {  	s3 =	sld [smem:$0x3FFD];
	_ =	sdelay $0x3  }
0x96: {  	_ =	strace s3  }
0x97: {  	_ =	strace $0x8FFFFFFF  }
0x98: {  	s19 =	sld [smem:$0x3FDB];
	_ =	sdelay $0x1  }
0x99: {  	s4 =	simm.s32 $_scs_section_size  }
0x9a: {  	s5 =	simm.s32 $_size__tile_overlayer_lowered;
	s6 =	simm.s32 $_tile_overlayer_lowered  }
0x9b: {  	s22 =	simm.s32 $0x1BFF;
	s21 =	sshll.u32 s6, $0x1;
	s3 =	sadd.s32 s4, s19  }
0x9c: {  	s7 =	simm.s32 $0x0;
	s20 =	sshll.u32 s5, $0x1;
	s5 =	sadd.s32 s21, s3  }
0x9d: {  	[timem:s7], [sflag:s22] =	dma.local [hbm:s5], s20  }
0x9e: {  	_ =	swait.ge [sflag:s22], s20  }
0x9f: {  	s4 =	ssub.s32 $0x0, s20;
	[sflag:s22] =	ssyncset.done $0x0  }
0xa0: {  	[sflag:s22] =	ssyncadd.s32 s4;
	_ =	sdelay $0x1  }
0xa1: {  	s23 =	simm.s32 $0x1B8B  }
0xa2: {  	_ =	swait.ge [sflag:s23], $0x1  }
0xa3: {  	[sflag:s23] =	ssyncset.done $0x0  }
0xa4: {  	s25 =	simm.s32 $0x1B8E;
	s24 =	sld [smem:$0x3FFE];
	[sflag:s23] =	ssyncadd.s32 $0xFFFFFFFF  }
0xa5: {  	s26 =	simm.s32 $execute0_lowered;
	[smem:$0x3FD2] =	sst s25  }
0xa6: {  	s5 =	sshll.u32 s26, $0x1;
	_ =	strace $0x80000049;
	[dreg:$0x1] =	wrdreg $0xFFFFFFFF  }
0xa7: {  	s28 =	simm.s32 $_size_execute0_lowered;
	s3 =	sadd.s32 s3, s5;
	[dreg:$0x0] =	wrdreg $0x0  }
0xa8: {  	s5 =	sshll.u32 s28, $0x1;
	[dreg:$0x2] =	wrdreg s3  }
0xa9: {  	[dreg:$0x3] =	wrdreg s5  }
0xaa: {  	[dreg:$0x4] =	wrdreg $0xC0  }
0xab: {  	_ =	task [dreg:s7], $0x5FFFF  }
0xac: {  	[dreg:$0x1] =	wrdreg $0xFFFFFFFF  }
0xad: {  	[dreg:$0x0] =	wrdreg $0x60  }
0xae: {  	[dreg:$0x2] =	wrdreg s24  }
0xaf: {  	[dreg:$0x3] =	wrdreg s2  }
0xb0: {  	[dreg:$0x4] =	wrdreg $0x9  }
0xb1: {  	_ =	task.clear_ibuf [dreg:s7], $0x5FFFF;
	_ =	strace $0x90000049  }
0xb2: {  	s29 =	simm.s32 $0x9;
	_ =	strace $0x8000004B  }
0xb3: {  	_ =	swait.ge [sflag:s29], $0x1  }
0xb4: {  	[sflag:s29] =	ssyncadd.s32 $0xFFFFFFFF  }
0xb5: {  	_ =	strace $0x9000004B  }
0xb6: {  	_ =	sfence  }
0xb7: {  	s30 =	sld [smem:$0x0];
	_ =	sdelay $0x2  }
0xb8: {  	s31 =	sshll.u32 s1, $0xD;
	s1 =	sshrl.u32 s1, $0x2  }
0xb9: {  	s3 =	sand.u32 $0x4000, s31;
	s1 =	sadd.s32 s1, s30  }
0xba: {  	s0 =	sor.u32 s3, s0;
	s1 =	sshll.u32 s1, $0x11  }
0xbb: {  	s0 =	sor.u32 s1, s0  }
0xbc: {  	s0 =	sadd.s32 $0x8F2B, s0  }
0xbd: {  	[sflag:s0] =	ssyncadd.remote.s32 $0x1  }
0xbe: {  	_ =	sfence.sel $0xFFFF  }
0xbf: {  	[dreg:$0x0] =	wrdreg $0xFFFFFFFF;
	(pc) =	sbr.abs _section_cstart, $3  }
0xc0: {  	[dreg:$0x1] =	wrdreg $0xFFFFFFFF  }
0xc1: {  	_ =	task.clear_ibuf [dreg:s7], $0x2FFFF;
	_ =	strace $0x9FFFFFFF  }
0xc2: {  	(tm) =	ssettm $0x7FFFFFFF  }
0xc3: {  	_ =	shalt  }
tec
execute0_lowered:
.L_overlay_start_1:
0x0: {  	(tag) =	ssettag $0x1  }
0x1: {  	s1 =	srdreg.scid;
	s4 =	rddreg [dreg:$0x0]  }
0x2: {  	s0 =	stileid.u32;
	s2 =	rddreg [dreg:$0x1];
	s3 =	simm.s32 $0x0  }
0x3: {  	s11 =	simm.s32 $0x3;
	s12 =	simm.s32 $0x80;
	s13 =	simm.s32 $0x3400  }
0x4: {  	s14 =	simm.s32 $0x5400;
	s15 =	simm.s32 $0x100;
	s16 =	simm.s32 $0x7400  }
0x5: {  	s17 =	simm.s32 $0x180;
	s18 =	simm.s32 $0x9400;
	s19 =	simm.s32 $0x1  }
0x6: {  	s20 =	simm.s32 $0x2;
	s5 =	sand.u32 $0x1, s1;
	s31 =	sshll.u32 s0, $0x1  }
0x7: {  	s21 =	simm.s32 $0x0;
	s1 =	rddreg [dreg:$0x2];
	s6 =	sor.u32 s5, s31  }
0x8: {  	[smem:$0x7FF] =	sst s3;
	s5 =	ssub.s32 $0x2, s5;
	s9 =	smul.u32 $0x3400, s6  }
0x9: {  	_ =	strace $0x8000004A;
	s8 =	sshrl.u32 s5, $0x1;
	s6 =	smul.u32 $0xD0000, s6  }
0xa: {  	s10 =	ssub.s32 s5, s8;
	s7 =	sshrl.u32 s9, $0x3;
	s8 =	sor.u32 $0x100, s9  }
0xb: {  	s10 =	smax.u32 s10, $0x1;
	s7 =	sadd.s32 s7, s4;
	s4 =	sadd.s32 $0xF50000, s4  }
0xc: {  	s5 =	sadd.s32 $0xC00, s7;
	s7 =	sor.u32 $0x80, s9;
	s9 =	sor.u32 $0x180, s9  }
.LBB2_1:
0xd: {  	[tilespmem:s3], [sflag:$0x3] =	stream.linear.gather [hbm4b:s5+s3], $0x3400, $0x38;
	[tilespmem:$0x1B400] =	vst v63  }
0xe: {  	_ =	swait.ge [sflag:s11], $0x3400  }
0xf: {  	[sflag:s11] =	ssyncset.done $0x0  }
0x10: {  	[sflag:s11] =	ssyncadd.s32 $0xFFFFCC00  }
0x11: {  	[tilespmem:s13], [sflag:$0x1] =	stream.indirect.gather [hbm4b:s4+s12], $0x40, s3, s12, $0xb8;
	[tilespmem:$0x1B400] =	vst v63  }
0x12: {  	_ = 	snop  }
0x13: {  	[tilespmem:s14], [sflag:$0x1] =	stream.indirect.gather [hbm4b:s4+s12], $0x40, s12, s12, $0xb8;
	[tilespmem:$0x1B400] =	vst v63  }
0x14: {  	_ = 	snop  }
0x15: {  	[tilespmem:s16], [sflag:$0x1] =	stream.indirect.gather [hbm4b:s4+s12], $0x40, s15, s12, $0xb8;
	[tilespmem:$0x1B400] =	vst v63  }
0x16: {  	s23 =	simm.s32 $0x0  }
0x17: {  	[tilespmem:s18], [sflag:$0x1] =	stream.indirect.gather [hbm4b:s4+s12], $0x40, s17, s12, $0xb8;
	[tilespmem:$0x1B400] =	vst v63  }
.LBB2_2:
0x18: {  	p0 =	slt.u32 s23, $0x2  }
0x19: {  	s22 =	simm.s32 @!p0 $0x2  }
0x1a: {  	_ =	swait.ge @!p0 [sflag:s22], $0x2000  }
0x1b: {  	[sflag:s22] =	ssyncset.done @!p0 $0x0  }
0x1c: {  	[sflag:s22] =	ssyncadd.s32 @!p0 $0xFFFFE000  }
0x1d: {  	_ =	swait.ge @!p0 [sflag:s22], $0x2000  }
0x1e: {  	[sflag:s22] =	ssyncset.done @!p0 $0x0  }
0x1f: {  	[sflag:s22] =	ssyncadd.s32 @!p0 $0xFFFFE000  }
0x20: {  	_ =	swait.ge @!p0 [sflag:s22], $0x2000  }
0x21: {  	[sflag:s22] =	ssyncset.done @!p0 $0x0  }
0x22: {  	[sflag:s22] =	ssyncadd.s32 @!p0 $0xFFFFE000  }
0x23: {  	_ =	swait.ge @!p0 [sflag:s22], $0x2000  }
0x24: {  	p1 =	seq.s32 @!p0 s23, $0x19;
	[sflag:s22] =	ssyncset.done @!p0 $0x0  }
0x25: {  	p1 =	por p0, !p1;
	[sflag:s22] =	ssyncadd.s32 @!p0 $0xFFFFE000;
	s22 =	simm.s32 @!p0 $0x1A  }
0x26: {  	s22 =	sadd.s32 @p1 $0x1, s23  }
0x27: {  	s24 =	smul.u32 @p1 $0xAB, s22;
	_ =	sdelay $0x1  }
0x28: {  	s24 =	sshrl.u32 @p1 s24, $0x9  }
0x29: {  	s24 =	sand.u32 @p1 $0x7F, s24  }
0x2a: {  	s24 =	smul.u32 @p1 $0x3, s24;
	_ =	sdelay $0x1  }
0x2b: {  	s24 =	ssub.s32 @p1 s22, s24  }
0x2c: {  	s24 =	sand.u32 @p1 $0xFF, s24  }
0x2d: {  	s25 =	sshll.u32 @p1 s22, $0x9;
	s24 =	sshll.u32 @p1 s24, $0xF  }
0x2e: {  	s25 =	sand.u32 @p1 $0x3FFFFE00, s25;
	s26 =	sor.u32 @p1 $0x3400, s24  }
0x2f: {  	[tilespmem:s26], [sflag:$0x1] =	stream.indirect.gather @p1 [hbm4b:s4+s12], $0x40, s25, s12, $0xb8;
	[tilespmem:$0x1B400] =	vst v63  }
0x30: {  	s28 =	sor.u32 @p1 $0x80, s25;
	s26 =	sor.u32 @p1 $0x5400, s24  }
0x31: {  	[tilespmem:s26], [sflag:$0x1] =	stream.indirect.gather @p1 [hbm4b:s4+s12], $0x40, s28, s12, $0xb8;
	[tilespmem:$0x1B400] =	vst v63  }
0x32: {  	s26 =	sor.u32 @p1 $0x7400, s24;
	s28 =	sor.u32 @p1 $0x100, s25  }
0x33: {  	[tilespmem:s26], [sflag:$0x1] =	stream.indirect.gather @p1 [hbm4b:s4+s12], $0x40, s28, s12, $0xb8;
	[tilespmem:$0x1B400] =	vst v63  }
0x34: {  	s29 =	smul.u32 $0xAB, s23;
	s24 =	sadd.s32 @p1 $0x9400, s24;
	s25 =	sor.u32 @p1 $0x180, s25  }
0x35: {  	[tilespmem:s24], [sflag:$0x1] =	stream.indirect.gather @p1 [hbm4b:s4+s12], $0x40, s25, s12, $0xb8;
	[tilespmem:$0x1B400] =	vst v63  }
0x36: {  	s24 =	sshrl.u32 s29, $0x9  }
0x37: {  	s24 =	sand.u32 $0x7F, s24  }
0x38: {  	s24 =	smul.u32 $0x3, s24  }
0x39: {  	s30 =	sshll.u32 s23, $0xF  }
0x3a: {  	s25 =	sadd.s32 s6, s30;
	_ =	swait.ge [sflag:s19], $0x2000;
	s24 =	ssub.s32 s23, s24  }
0x3b: {  	s25 =	sshrl.u32 s25, $0x3;
	[sflag:s19] =	ssyncset.done $0x0;
	s24 =	sand.u32 $0xFF, s24  }
0x3c: {  	s25 =	sadd.s32 s2, s25;
	s23 =	sshll.u32 s23, $0x9;
	s24 =	sshll.u32 s24, $0xF  }
0x3d: {  	[sflag:s19] =	ssyncadd.s32 $0xFFFFE000;
	s28 =	sadd.s32 s23, s7;
	s31 =	sor.u32 $0x3400, s24  }
0x3e: {  	[hbm4b:s25+s3] =	stream.linear.scatter [tilespmem:s31], [sflag:$0x2], $0x2000, $0x38;
	[tilespmem:$0x1B400] =	vst v63  }
0x3f: {  	s25 =	sshll.u32 s28, $0x3;
	_ =	swait.ge [sflag:s19], $0x2000  }
0x40: {  	s30 =	sadd.s32 s23, s8;
	s25 =	sand.u32 $0x1FFFF400, s25;
	[sflag:s19] =	ssyncset.done $0x0  }
0x41: {  	s29 =	sor.u32 $0x5400, s24;
	s25 =	sadd.s32 s2, s25;
	[sflag:s19] =	ssyncadd.s32 $0xFFFFE000  }
0x42: {  	[hbm4b:s25+s3] =	stream.linear.scatter [tilespmem:s29], [sflag:$0x2], $0x2000, $0x38;
	[tilespmem:$0x1B400] =	vst v63  }
0x43: {  	p0 =	slt.u32 s22, $0x1A;
	s25 =	sshll.u32 s30, $0x3;
	_ =	swait.ge [sflag:s19], $0x2000  }
0x44: {  	s23 =	sadd.s32 s23, s9;
	s25 =	sand.u32 $0x1FFFF800, s25;
	[sflag:s19] =	ssyncset.done $0x0  }
0x45: {  	s31 =	sor.u32 $0x7400, s24;
	s25 =	sadd.s32 s2, s25;
	[sflag:s19] =	ssyncadd.s32 $0xFFFFE000  }
0x46: {  	[hbm4b:s25+s3] =	stream.linear.scatter [tilespmem:s31], [sflag:$0x2], $0x2000, $0x38;
	[tilespmem:$0x1B400] =	vst v63  }
.Ltmp0:
0x47: {  	s23 =	sshll.u32 s23, $0x3;
	_ =	swait.ge [sflag:s19], $0x2000;
	(pc) =	sbr.rel @p0 .LBB2_2-.Ltmp0, $4  }
0x48: {  	s23 =	sand.u32 $0x1FFFFC00, s23;
	[sflag:s19] =	ssyncset.done $0x0  }
0x49: {  	s24 =	sadd.s32 $0x9400, s24;
	s23 =	sadd.s32 s2, s23;
	[sflag:s19] =	ssyncadd.s32 $0xFFFFE000  }
0x4a: {  	[hbm4b:s23+s3] =	stream.linear.scatter [tilespmem:s24], [sflag:$0x2], $0x2000, $0x38;
	[tilespmem:$0x1B400] =	vst v63  }
0x4b: {  	s23 =	smov.u32 s22  }
0x4c: {  	_ =	swait.ge [sflag:s20], $0x2000  }
0x4d: {  	[sflag:s20] =	ssyncset.done $0x0  }
0x4e: {  	[sflag:s20] =	ssyncadd.s32 $0xFFFFE000  }
0x4f: {  	_ =	swait.ge [sflag:s20], $0x2000  }
0x50: {  	[sflag:s20] =	ssyncset.done $0x0  }
0x51: {  	[sflag:s20] =	ssyncadd.s32 $0xFFFFE000  }
0x52: {  	_ =	swait.ge [sflag:s20], $0x2000  }
0x53: {  	[sflag:s20] =	ssyncset.done $0x0  }
0x54: {  	[sflag:s20] =	ssyncadd.s32 $0xFFFFE000  }
0x55: {  	_ =	swait.ge [sflag:s20], $0x2000  }
0x56: {  	[sflag:s20] =	ssyncset.done $0x0  }
0x57: {  	[sflag:s20] =	ssyncadd.s32 $0xFFFFE000  }
0x58: {  	_ =	swait.ge [sflag:s20], $0x2000  }
0x59: {  	[sflag:s20] =	ssyncset.done $0x0  }
0x5a: {  	[sflag:s20] =	ssyncadd.s32 $0xFFFFE000  }
0x5b: {  	_ =	swait.ge [sflag:s20], $0x2000  }
0x5c: {  	[sflag:s20] =	ssyncset.done $0x0  }
0x5d: {  	s21 =	sadd.s32 $0x1, s21;
	[sflag:s20] =	ssyncadd.s32 $0xFFFFE000  }
0x5e: {  	p0 =	sne.s32 s21, s10;
	_ =	swait.ge [sflag:s20], $0x2000  }
.Ltmp1:
0x5f: {  	[sflag:s20] =	ssyncset.done $0x0;
	(pc) =	sbr.rel @p0 .LBB2_1-.Ltmp1, $4  }
0x60: {  	[sflag:s20] =	ssyncadd.s32 $0xFFFFE000  }
0x61: {  	_ =	swait.ge [sflag:s20], $0x2000  }
0x62: {  	[sflag:s20] =	ssyncset.done $0x0  }
0x63: {  	[sflag:s20] =	ssyncadd.s32 $0xFFFFE000  }
0x64: {  	_ =	sfence.sel $0x180000  }
0x65: {  	[bflag:$0x0] =	sbarrier.arrive $0xFFFF  }
0x66: {  	p0 =	sne.s32 s0, $0x0;
	_ =	strace $0x9000004A  }
0x67: {  	s0 =	sadd.s32 @!p0 $0x100000, s1;
	[bflag:$0x2] =	sbarrier.arrive $0xFFFF  }
0x68: {  	[sflag:s0] =	ssyncadd.tile.s32 @!p0 $0x1;
	_ =	shalt  }
.Lfunc_end2:
_tile_overlayer_lowered:
.L_overlay_start_2:
0x69: {  	(tag) =	ssettag $0x2  }
0x6a: {  	s0 =	rddreg [dreg:$0x0];
	s2 =	stileid.u32  }
0x6b: {  	s1 =	rddreg [dreg:$0x1];
	p0 =	sne.s32 s2, $0x0  }
0x6c: {  	s3 =	rddreg [dreg:$0x2];
	[bflag:$0x3] =	sbarrier.arrive $0xFFFF;
	s2 =	simm.s32 @!p0 $0x1C03  }
0x6d: {  	[timem:s3], [sflag:s2] =	dma.local @!p0 [hbm:s0], s1  }
0x6e: {  	s0 =	simm.s32 @!p0 $0x3  }
0x6f: {  	_ =	swait.ge @!p0 [sflag:s0], s1  }
0x70: {  	s1 =	ssub.s32 @!p0 $0x0, s1;
	[sflag:s0] =	ssyncset.done @!p0 $0x0  }
0x71: {  	[sflag:s0] =	ssyncadd.s32 @!p0 s1  }
0x72: {  	[bflag:$0x3] =	sbarrier.arrive $0xFFFF  }
0x73: {  	_ =	shalt  }

// kernel: sparse-core-data-format-call.cloned.1.call-start
scs
called_computation_lowered:
.L_overlay_start_0:
0x0: {  	s2 =	sld [smem:$0x3FD9]  }
0x1: {  	s3 =	sld [smem:$0x3FFE];
	_ =	sdelay $0x1  }
0x2: {  	s1 =	srdreg.scid  }
0x3: {  	s0 =	sand.u32 $0x1, s1  }
0x4: {  	s18 =	sshll.u32 s0, $0xA;
	s2 =	sadd.s32 s3, s2  }
0x5: {  	s2 =	sadd.s32 s2, s18  }
0x6: {  	[smem:$0x3FC6] =	sst s2  }
0x7: {  	_ = 	snop  }
0x8: {  	s2 =	sld [smem:$0x3FD0];
	(tm) =	ssettm $0x1  }
0x9: {  	s19 =	sld [smem:$0x3FFB];
	_ =	sdelay $0x3  }
0xa: {  	_ =	strace s19  }
0xb: {  	s3 =	sld [smem:$0x3FFC];
	_ =	sdelay $0x3  }
0xc: {  	_ =	strace s3  }
0xd: {  	s3 =	sld [smem:$0x3FFD];
	_ =	sdelay $0x3  }
0xe: {  	_ =	strace s3  }
0xf: {  	_ =	strace $0x8FFFFFFF  }
0x10: {  	s20 =	sld [smem:$0x3FDB];
	_ =	sdelay $0x1  }
0x11: {  	s4 =	simm.s32 $_scs_section_size  }
0x12: {  	s5 =	simm.s32 $_size__tile_overlayer_lowered;
	s6 =	simm.s32 $_tile_overlayer_lowered  }
0x13: {  	s23 =	simm.s32 $0x1BFF;
	s22 =	sshll.u32 s6, $0x1;
	s3 =	sadd.s32 s4, s20  }
0x14: {  	s7 =	simm.s32 $0x0;
	s21 =	sshll.u32 s5, $0x1;
	s5 =	sadd.s32 s22, s3  }
0x15: {  	[timem:s7], [sflag:s23] =	dma.local [hbm:s5], s21  }
0x16: {  	_ =	swait.ge [sflag:s23], s21  }
0x17: {  	s4 =	ssub.s32 $0x0, s21;
	[sflag:s23] =	ssyncset.done $0x0  }
0x18: {  	[sflag:s23] =	ssyncadd.s32 s4;
	_ =	sdelay $0x1  }
0x19: {  	s24 =	simm.s32 $0x1B8B  }
0x1a: {  	_ =	swait.ge [sflag:s24], $0x1  }
0x1b: {  	[sflag:s24] =	ssyncset.done $0x0  }
0x1c: {  	s26 =	simm.s32 $0x1B8E;
	s25 =	sld [smem:$0x3FFE];
	[sflag:s24] =	ssyncadd.s32 $0xFFFFFFFF  }
0x1d: {  	s27 =	simm.s32 $execute0_lowered;
	[smem:$0x3FD2] =	sst s26  }
0x1e: {  	s5 =	sshll.u32 s27, $0x1;
	_ =	strace $0x8000004C;
	[dreg:$0x1] =	wrdreg $0xFFFFFFFF  }
0x1f: {  	s28 =	simm.s32 $_size_execute0_lowered;
	s3 =	sadd.s32 s3, s5;
	[dreg:$0x0] =	wrdreg $0x0  }
0x20: {  	s5 =	sshll.u32 s28, $0x1;
	[dreg:$0x2] =	wrdreg s3  }
0x21: {  	[dreg:$0x3] =	wrdreg s5  }
0x22: {  	[dreg:$0x4] =	wrdreg $0xC0  }
0x23: {  	_ =	task [dreg:s7], $0x5FFFF  }
0x24: {  	[dreg:$0x1] =	wrdreg $0xFFFFFFFF  }
0x25: {  	[dreg:$0x0] =	wrdreg $0x60  }
0x26: {  	[dreg:$0x2] =	wrdreg s25  }
0x27: {  	[dreg:$0x3] =	wrdreg s2  }
0x28: {  	[dreg:$0x4] =	wrdreg $0x9  }
0x29: {  	_ =	task.clear_ibuf [dreg:s7], $0x5FFFF;
	_ =	strace $0x9000004C  }
0x2a: {  	s29 =	simm.s32 $0x9;
	_ =	strace $0x8000004E  }
0x2b: {  	_ =	swait.ge [sflag:s29], $0x1  }
0x2c: {  	[sflag:s29] =	ssyncadd.s32 $0xFFFFFFFF  }
0x2d: {  	_ =	strace $0x9000004E  }
0x2e: {  	_ =	sfence  }
0x2f: {  	s30 =	sld [smem:$0x0];
	_ =	sdelay $0x2  }
0x30: {  	s31 =	sshll.u32 s1, $0xD;
	s1 =	sshrl.u32 s1, $0x2  }
0x31: {  	s3 =	sand.u32 $0x4000, s31;
	s1 =	sadd.s32 s1, s30  }
0x32: {  	s0 =	sor.u32 s3, s0;
	s1 =	sshll.u32 s1, $0x11  }
0x33: {  	s0 =	sor.u32 s1, s0  }
0x34: {  	s0 =	sadd.s32 $0x8F2B, s0  }
0x35: {  	[sflag:s0] =	ssyncadd.remote.s32 $0x1  }
0x36: {  	_ =	sfence.sel $0xFFFF  }
0x37: {  	[dreg:$0x0] =	wrdreg $0xFFFFFFFF;
	(pc) =	sbr.abs _section_cstart, $3  }
0x38: {  	[dreg:$0x1] =	wrdreg $0xFFFFFFFF  }
0x39: {  	_ =	task.clear_ibuf [dreg:s7], $0x2FFFF;
	_ =	strace $0x9FFFFFFF  }
0x3a: {  	(tm) =	ssettm $0x7FFFFFFF  }
0x3b: {  	_ =	shalt  }
tec
execute0_lowered:
.L_overlay_start_1:
0x0: {  	(tag) =	ssettag $0x1  }
0x1: {  	s0 =	srdreg.scid  }
0x2: {  	s1 =	sshll.u32 s0, $0x4  }
0x3: {  	s0 =	stileid.u32;
	s1 =	sand.u32 $0x10, s1  }
0x4: {  	s7 =	rddreg [dreg:$0x0];
	s1 =	sor.u32 s0, s1  }
0x5: {  	s4 =	simm.s32 $0x1;
	s8 =	simm.s32 $0x2;
	s2 =	sshll.u32 s1, $0x7  }
0x6: {  	s13 =	simm.s32 $0x0;
	s9 =	simm.s32 $0x20000;
	s1 =	ssub.s32 $0x4000, s2  }
0x7: {  	s14 =	simm.s32 $0x0;
	s11 =	simm.s32 $0x0;
	s3 =	sand.u32 $0xF80, s1  }
0x8: {  	s12 =	simm.s32 $0x0;
	s5 =	sshrl.u32 s1, $0xC;
	p0 =	sne.s32 s3, $0x0  }
.Ltmp0:
0x9: {  	s1 =	rddreg [dreg:$0x2];
	s4 =	simm.s32 @!p0 $0x0;
	(pc) =	sbr.rel .LBB1_1-.Ltmp0, $4  }
0xa: {  	s6 =	sadd.s32 $0xC00, s7;
	s3 =	rddreg [dreg:$0x1];
	s5 =	sadd.s32 s4, s5  }
0xb: {  	_ =	strace $0x8000004D;
	s4 =	simm.s32 $0x1;
	s5 =	smul.u32 $0xD, s5  }
0xc: {  	s7 =	sadd.s32 $0x40C00, s7;
	s10 =	smov.u32 s2;
	[sflag:s4] =	ssyncpa.u1 $0x0  }
0xd: {  	p0 =	por $0x0, $0x0;
	[sflag:s8] =	ssyncpa.u1 $0x0;
	s8 =	sadd.s32 $0x1, s5  }
.LBB1_7:
0xe: {  	s15 =	sadd.s32 $0x1000, s10  }
0xf: {  	s13 =	sadd.s32 $0x2, s11;
	s17 =	smov.u32 s11;
	p2 =	sgt.s32 s15, $0x3FFF  }
0x10: {  	s17 =	smov.u32 @p2 s13  }
0x11: {  	s15 =	smov.u32 @p2 s2;
	p2 =	sgt.s32 s17, $0x19  }
0x12: {  	s17 =	simm.s32 @p2 $0x0;
	p2 =	sne.s32 s12, s8  }
.Ltmp1:
0x13: {  	p1 =	slt.u32 s12, $0x2;
	(pc) =	sbr.rel @!p2 .LBB1_8-.Ltmp1, $4  }
0x14: {  	s16 =	simm.s32 @!p1 $0x2  }
0x15: {  	s14 =	smov.u32 s11;
	p0 =	por !p0, !p0;
	_ =	swait.ge @!p1 [sflag:s16], $0x4000  }
0x16: {  	s13 =	smov.u32 s10;
	[sflag:s16] =	ssyncset.done @!p1 $0x0;
	s10 =	smov.u32 s15  }
0x17: {  	s12 =	sadd.s32 $0x1, s12;
	[sflag:s16] =	ssyncadd.s32 @!p1 $0xFFFFC000;
	s11 =	smov.u32 s17  }
.LBB1_1:
0x18: {  	p1 =	sge.u32 s12, s5  }
0x19: {  	s15 =	sxor.u32 @!p1 $0xFFFFFFFF, s12;
	s16 =	sshll.u32 @!p1 s11, $0x12  }
0x1a: {  	s17 =	sshll.u32 @!p1 s10, $0x4;
	s19 =	simm.s32 @!p1 $0x40;
	s20 =	simm.s32 @!p1 $0x80  }
0x1b: {  	s15 =	sshll.u32 @!p1 s15, $0xE;
	s17 =	sand.u32 @!p1 $0x3FFF0, s17;
	s18 =	sadd.s32 @!p1 s6, s16  }
0x1c: {  	s16 =	sadd.s32 @!p1 s16, s7;
	s15 =	sand.u32 @!p1 $0x4000, s15;
	s18 =	sadd.s32 @!p1 s17, s18  }
0x1d: {  	[tilespmem:s15], [sflag:$0x1] =	stream.strided.gather @!p1 [hbm4b:s18+s19], $0x2000, s20, s19, $0x38;
	[tilespmem:$0x10100] =	vst v63  }
0x1e: {  	s31 =	sadd.s32 $0xFFFFFFFF, s12;
	s16 =	sadd.s32 @!p1 s17, s16;
	s15 =	sor.u32 @!p1 $0x2000, s15  }
0x1f: {  	[tilespmem:s15], [sflag:$0x1] =	stream.strided.gather @!p1 [hbm4b:s16+s19], $0x2000, s20, s19, $0x38;
	[tilespmem:$0x10100] =	vst v63  }
0x20: {  	p1 =	sge.u32 s31, s5  }
.Ltmp2:
0x21: {  	_ = 	snop;
	(pc) =	sbr.rel @p1 .LBB1_7-.Ltmp2, $1  }
0x22: {  	_ =	sdelay $0x3  }
0x23: {  	s15 =	simm.s32 $0x1;
	s17 =	sand.u32 $0x1, s12  }
0x24: {  	_ =	swait.ge [sflag:s4], $0x4000;
	s15 =	simm.s32 @!p0 $0x0;
	s17 =	smul.u32 $0x10200, s17  }
0x25: {  	p2 =	por $0x1, $0x1;
	[sflag:s4] =	ssyncset.done $0x0;
	s16 =	smul.u32 $0x10200, s15  }
0x26: {  	s18 =	sshll.u32 s15, $0x10;
	[sflag:s4] =	ssyncadd.s32 $0xFFFFC000;
	s30 =	sshrl.u32 s17, $0x2  }
0x27: {  	s31 =	sshrl.u32 s18, $0x2;
	s18 =	simm.s32 $0x0;
	s16 =	sshrl.u32 s16, $0x2  }
0x28: {  	s15 =	sor.u32 $0x8000, s30;
	s17 =	sadd.s32 $0x20, s31;
	s16 =	sor.u32 $0x8000, s16  }
.LBB1_3:
0x29: {  	s19 =	sshll.u32 s18, $0xD  }
0x2a: {  	s19 =	sand.u32 $0x3FFFE000, s19  }
0x2b: {  	s21 =	sadd.s32 s19, s17  }
0x2c: {  	s31 =	smul.u32 $0x8100, s18;
	v3 =	vld [tilespmem:s21+$0x10]  }
0x2d: {  	v1 =	vld [tilespmem:s21+$0xFFFFFFF0]  }
0x2e: {  	s18 =	sshra.s32 s31, $0x2;
	v0 =	vld [tilespmem:s21+$0x0]  }
0x2f: {  	s18 =	sadd.s32 s18, s16;
	v2 =	vld [tilespmem:s21+$0xFFFFFFE0]  }
0x30: {  	s19 =	sadd.s32 $0x0, s18  }
0x31: {  	p1 =	por p2, p2;
	s20 =	simm.s32 $0x4;
	s21 =	sadd.s32 $0x40, s21;
	[tilespmem:s19+$0x1830 ss:$0x81] =	vst.msk $0xffff, v3  }
.LBB1_4:
0x32: {  	v3 =	vld [tilespmem:s21+$0x10];
	p2 =	sne.s32 s20, $0x1FC;
	[tilespmem:s19+$0x810 ss:$0x81] =	vst.msk $0xffff, v1;
	s22 =	smov.u32 s20;
	s20 =	sadd.s32 $0x4, s20  }
.Ltmp3:
0x33: {  	v1 =	vld [tilespmem:s21+$0xFFFFFFF0];
	[tilespmem:s19+$0x1020 ss:$0x81] =	vst.msk $0xffff, v0;
	(pc) =	sbr.rel @p2 .LBB1_4-.Ltmp3, $4  }
0x34: {  	v0 =	vld [tilespmem:s21+$0x0];
	[tilespmem:s19+$0x0 ss:$0x81] =	vst.msk $0xffff, v2  }
0x35: {  	s19 =	sshra.s32 s22, $0x2;
	v2 =	vld [tilespmem:s21+$0xFFFFFFE0]  }
0x36: {  	s19 =	sadd.s32 s19, s18  }
0x37: {  	s21 =	sadd.s32 $0x40, s21;
	[tilespmem:s19+$0x1830 ss:$0x81] =	vst.msk $0xffff, v3  }
.Ltmp4:
0x38: {  	(pc) =	sbr.rel @p1 .LBB1_3-.Ltmp4, $4  }
0x39: {  	_ = 	snop  }
0x3a: {  	[tilespmem:s19+$0x810 ss:$0x81] =	vst.msk $0xffff, v1  }
0x3b: {  	[tilespmem:s19+$0x1020 ss:$0x81] =	vst.msk $0xffff, v0  }
0x3c: {  	s18 =	simm.s32 $0x1;
	p2 =	por $0x0, $0x0;
	[tilespmem:s19+$0x0 ss:$0x81] =	vst.msk $0xffff, v2  }
0x3d: {  	s16 =	sshll.u32 s13, $0x3;
	s17 =	sand.u32 $0x78, s13;
	s14 =	sshll.u32 s14, $0x11  }
.Ltmp5:
0x3e: {  	s30 =	sand.u32 $0x1F800, s13;
	s16 =	sand.u32 $0x3C00, s16;
	(pc) =	sbr.rel .LBB1_7-.Ltmp5, $4  }
0x3f: {  	s31 =	sand.u32 $0x7, s13;
	s14 =	sadd.s32 s3, s14;
	s16 =	sor.u32 s17, s16  }
0x40: {  	s13 =	sshll.u32 s31, $0x12;
	s14 =	sadd.s32 s30, s14;
	s16 =	sshrl.u32 s16, $0x3  }
0x41: {  	s13 =	sor.u32 $0x400, s13;
	s14 =	sadd.s32 s16, s14  }
0x42: {  	[hbm4b:s14+s13] =	stream.strided.scatter [tilespmem:s15], [sflag:$0x2], $0x4000, s9, s13, $0x20;
	[tilespmem:$0x10100] =	vst v63  }
.LBB1_8:
0x43: {  	_ =	sfence.sel $0x180000  }
0x44: {  	s2 =	simm.s32 $0x1;
	[bflag:$0x0] =	sbarrier.arrive $0xFFFF  }
0x45: {  	s31 =	simm.s32 $0x2;
	[sflag:s2] =	ssyncpa.u1 $0x1  }
0x46: {  	[sflag:s31] =	ssyncpa.u1 $0x1  }
0x47: {  	p0 =	sne.s32 s0, $0x0;
	_ =	strace $0x9000004D  }
0x48: {  	s0 =	sadd.s32 @!p0 $0x100000, s1;
	[bflag:$0x2] =	sbarrier.arrive $0xFFFF  }
0x49: {  	[sflag:s0] =	ssyncadd.tile.s32 @!p0 $0x1;
	_ =	shalt  }
.Lfunc_end1:
_tile_overlayer_lowered:
.L_overlay_start_2:
0x4a: {  	(tag) =	ssettag $0x2  }
0x4b: {  	s0 =	rddreg [dreg:$0x0];
	s2 =	stileid.u32  }
0x4c: {  	s1 =	rddreg [dreg:$0x1];
	p0 =	sne.s32 s2, $0x0  }
0x4d: {  	s3 =	rddreg [dreg:$0x2];
	[bflag:$0x3] =	sbarrier.arrive $0xFFFF;
	s2 =	simm.s32 @!p0 $0x1C01  }
0x4e: {  	[timem:s3], [sflag:s2] =	dma.local @!p0 [hbm:s0], s1  }
0x4f: {  	s0 =	simm.s32 @!p0 $0x1  }
0x50: {  	_ =	swait.ge @!p0 [sflag:s0], s1  }
0x51: {  	s1 =	ssub.s32 @!p0 $0x0, s1;
	[sflag:s0] =	ssyncset.done @!p0 $0x0  }
0x52: {  	[sflag:s0] =	ssyncadd.s32 @!p0 s1  }
0x53: {  	[bflag:$0x3] =	sbarrier.arrive $0xFFFF  }
0x54: {  	_ =	shalt  }

</sc_bundles>
